<compile_context>
chip_gen: v7x
topology: tpu7x:2x2x1
jax: 0.10.2.dev20260603
libtpu: 0.0.44.dev20260713+nightly
codegen_flags: <defaults>
</compile_context>

<pallas_src>
import jax
import jax.numpy as jnp
from jax import lax
from jax.experimental import pallas as pl
from jax.experimental.pallas import tpu as pltpu
from jax.experimental.pallas import tpu_sc as plsc

_NC = 2
_NS = 16
_NW = _NC * _NS
_L = 200
_B = 4096
_EMB = 128
_LBL = 100
_EPW = _B // _NW
_HALF = _L // 2
_VEC = 16
_KV = _EMB // _VEC
_NBUF = 4
_G0 = 96
_G1 = _L - _G0
_OUT_TILE = 8
_SCALE = 1.0 / _L


def _sc_pool_body(idx_hbm, table_hbm, out_hbm, idx_v,
                  rows0, rows1, rows2, rows3, outst,
                  sem0, sem1, sem2, sem3, out_sem, idx_sem):
    bufs = (rows0, rows1, rows2, rows3)
    sems = (sem0, sem1, sem2, sem3)
    wid = lax.axis_index("s") * _NC + lax.axis_index("c")
    base = pl.multiple_of(wid * _EPW, _EPW)
    nwords = _EPW * _L
    head_words = _NBUF * _L
    hbase = pl.multiple_of(wid * nwords, 8)
    pltpu.sync_copy(idx_hbm.at[pl.ds(hbase, head_words)],
                    idx_v.at[pl.ds(0, head_words)])
    rest = pltpu.async_copy(
        idx_hbm.at[pl.ds(pl.multiple_of(wid * nwords + head_words, 8),
                         nwords - head_words)],
        idx_v.at[pl.ds(head_words, nwords - head_words)], idx_sem)

    _SPLITS = ((0, _G0), (_G0, _G1))

    def issue(e, buf, sem):
        for s, n in _SPLITS:
            off = pl.multiple_of(e * _L + s, 8)
            pltpu.async_copy(table_hbm.at[idx_v.at[pl.ds(off, n)]],
                             buf.at[pl.ds(s, n)], sem)

    def drain(buf, sem):
        for s, n in _SPLITS:
            pltpu.make_async_copy(table_hbm.at[idx_v.at[pl.ds(0, n)]],
                                  buf.at[pl.ds(s, n)], sem).wait()

    def consume(e, buf):
        zeros = tuple(jnp.zeros((_VEC,), jnp.float32) for _ in range(_KV))

        @plsc.parallel_loop(0, _HALF, unroll=2, carry=zeros)
        def acc(l, acc):
            acc = list(acc)
            for h in range(2):
                for k in range(_KV):
                    acc[k] = acc[k] + buf[l + _HALF * h,
                                          pl.ds(k * _VEC, _VEC)]
            return tuple(acc)
        m = lax.rem(e, _OUT_TILE)

        @pl.when(jnp.logical_and(m == 0, e >= _OUT_TILE))
        def _drain_prev_flush():
            pltpu.make_async_copy(out_hbm.at[pl.ds(0, _OUT_TILE)], outst,
                                  out_sem).wait()

        for k in range(_KV):
            outst[m, pl.ds(k * _VEC, _VEC)] = acc[k] * _SCALE

        @pl.when(m == _OUT_TILE - 1)
        def _flush():
            start = pl.multiple_of(base + e - (_OUT_TILE - 1), _OUT_TILE)
            pltpu.async_copy(outst, out_hbm.at[pl.ds(start, _OUT_TILE)],
                             out_sem)

    for q in range(_NBUF):
        issue(q, bufs[q], sems[q])
    rest.wait()

    def step(g, carry):
        e0 = _NBUF * g
        for q in range(_NBUF):
            e = e0 + q
            drain(bufs[q], sems[q])
            consume(e, bufs[q])

            @pl.when(e + _NBUF < _EPW)
            def _():
                issue(e + _NBUF, bufs[q], sems[q])
        return carry

    lax.fori_loop(0, _EPW // _NBUF, step, jnp.int32(0))
    pltpu.make_async_copy(out_hbm.at[pl.ds(0, _OUT_TILE)], outst,
                          out_sem).wait()


def _head_body(z_ref, w_ref, b_ref, o_ref):
    o_ref[...] = jax.nn.sigmoid(
        jnp.dot(z_ref[...], w_ref[...], preferred_element_type=jnp.float32)
        + b_ref[...])


def kernel(inputs, table, W, b):
    idx_flat = jnp.transpose(inputs).reshape(-1)
    mesh = plsc.VectorSubcoreMesh(core_axis_name="c", subcore_axis_name="s")
    pooled = pl.kernel(
        _sc_pool_body,
        mesh=mesh,
        out_type=jax.ShapeDtypeStruct((_B, _EMB), jnp.float32),
        scratch_types=[
            pltpu.VMEM((_EPW * _L,), jnp.int32),
        ] + [pltpu.VMEM((2 * _HALF, _EMB), jnp.float32)] * _NBUF + [
            pltpu.VMEM((_OUT_TILE, _EMB), jnp.float32),
        ] + [pltpu.SemaphoreType.DMA] * (_NBUF + 2),
    )(idx_flat, table)
    out = pl.pallas_call(
        _head_body,
        out_shape=jax.ShapeDtypeStruct((_B, _LBL), jnp.float32),
    )(pooled, W, jnp.reshape(b, (1, _LBL)))
    return out

# --- scband reference (transcript-rebuilt; emitter-appended) ---
"""Pipeline reference for scband-embedding-classifier-59072980189315 (READ-ONLY COPY).

The authoritative reference and input builder live on the scoring server;
editing this copy changes nothing except your own understanding.
"""

import jax, jax.numpy as jnp
import numpy as np

VOCAB = 100000
EMB = 128
LABELS = 100
L = 200
B = 4096


def setup_inputs(seed: int = 0) -> dict:
    key = jax.random.key(seed)
    k1, k2, k3, k4 = jax.random.split(key, 4)
    inputs = jax.random.randint(k1, (L, B), 0, VOCAB, dtype=jnp.int32)
    table = jax.random.normal(k2, (VOCAB, EMB), dtype=jnp.float32)
    W = jax.random.normal(k3, (EMB, LABELS), dtype=jnp.float32) * (1.0 / np.sqrt(EMB))
    b = jax.random.normal(k4, (LABELS,), dtype=jnp.float32) * 0.01
    return {"inputs": inputs, "table": table, "W": W, "b": b}


def reference(inputs, table, W, b):
    # nn.Embedding lookup: [L, B] -> [L, B, EMB]
    z1 = jnp.take(table, inputs, axis=0)
    # .permute(1, 0, 2) -> [B, L, EMB]
    z1 = jnp.transpose(z1, (1, 0, 2))
    # F.avg_pool2d with kernel (L, 1) over [B, L, EMB] then squeeze(1) == mean over seq axis
    z2 = jnp.mean(z1, axis=1)
    # Linear + sigmoid
    out = z2 @ W + b
    return jax.nn.sigmoid(out)

if __name__ == "__main__":
    import jax
    _d = setup_inputs()
    print(jax.jit(kernel)(*tuple(_d.values())))

</pallas_src>

<mosaic_0001>
#map = affine_map<(d0, d1) -> (0)>
#map1 = affine_map<(d0, d1) -> (0, 0)>
module attributes {stable_mosaic.version = 14 : i64} {
  func.func @_sc_pool_body(%arg0: i32, %arg1: i32, %arg2: memref<819200xi32, #tpu.memory_space<hbm>>, %arg3: memref<100000x128xf32, #tpu.memory_space<hbm>>, %arg4: memref<4096x128xf32, #tpu.memory_space<hbm>>, %arg5: memref<25600xi32, #tpu.memory_space<vmem>>, %arg6: memref<200x128xf32, #tpu.memory_space<vmem>>, %arg7: memref<200x128xf32, #tpu.memory_space<vmem>>, %arg8: memref<200x128xf32, #tpu.memory_space<vmem>>, %arg9: memref<200x128xf32, #tpu.memory_space<vmem>>, %arg10: memref<8x128xf32, #tpu.memory_space<vmem>>, %arg11: memref<!tpu.dma_semaphore, #tpu.memory_space<semaphore_mem>>, %arg12: memref<!tpu.dma_semaphore, #tpu.memory_space<semaphore_mem>>, %arg13: memref<!tpu.dma_semaphore, #tpu.memory_space<semaphore_mem>>, %arg14: memref<!tpu.dma_semaphore, #tpu.memory_space<semaphore_mem>>, %arg15: memref<!tpu.dma_semaphore, #tpu.memory_space<semaphore_mem>>, %arg16: memref<!tpu.dma_semaphore, #tpu.memory_space<semaphore_mem>>) attributes {dimension_semantics = [#tpu.dimension_semantics<core_parallel>, #tpu.dimension_semantics<subcore_parallel>], iteration_bounds = array<i64: 2, 16>, scalar_prefetch = 0 : i64, scratch_operands = 12 : i64, tpu.core_type = #tpu.core_type<sc_vector_subcore>, window_params = [{transform_indices = #map}, {transform_indices = #map1}, {transform_indices = #map1}]} {
    %mul3A = arith.constant 2 : i32
    %mul3A_0 = arith.muli %arg1, %mul3A : i32
    %add3A = arith.addi %mul3A_0, %arg0 : i32
    %mul3A_1 = arith.constant 128 : i32
    %mul3A_2 = arith.muli %add3A, %mul3A_1 : i32
    %multiple_of3A = tpu.assume_multiple %mul3A_2, 128 : i32
    %mul3A_3 = arith.constant 25600 : i32
    %mul3A_4 = arith.muli %add3A, %mul3A_3 : i32
    %multiple_of3A_5 = tpu.assume_multiple %mul3A_4, 8 : i32
    "tpu.region"() ({
      %run_scoped3A = tpu.sem_alloc : memref<!tpu.dma_semaphore, #tpu.memory_space<semaphore_mem>>
      %dma_start3A_104 = arith.constant 0 : i32
      %dma_start3A_105 = tpu.memref_slice %arg5[%dma_start3A_104] : memref<25600xi32, #tpu.memory_space<vmem>> -> memref<800xi32, #tpu.memory_space<vmem>>
      %dma_start3A_106 = tpu.memref_slice %arg2[%multiple_of3A_5] : memref<819200xi32, #tpu.memory_space<hbm>> -> memref<800xi32, #tpu.memory_space<hbm>>
      %dma_start3A_107 = arith.constant 0 : i32
      %dma_start3A_108 = tpu.memref_slice %arg5[%dma_start3A_107] : memref<25600xi32, #tpu.memory_space<vmem>> -> memref<800xi32, #tpu.memory_space<vmem>>
      %dma_start3A_109 = tpu.memref_slice %arg2[%multiple_of3A_5] : memref<819200xi32, #tpu.memory_space<hbm>> -> memref<800xi32, #tpu.memory_space<hbm>>
      tpu.enqueue_dma source(%dma_start3A_109 : memref<800xi32, #tpu.memory_space<hbm>>) target(%dma_start3A_108 : memref<800xi32, #tpu.memory_space<vmem>>) target_semaphore(%run_scoped3A : memref<!tpu.dma_semaphore, #tpu.memory_space<semaphore_mem>>)
      %dma_wait3A_110 = arith.constant 0 : i32
      %dma_wait3A_111 = tpu.memref_slice %arg5[%dma_wait3A_110] : memref<25600xi32, #tpu.memory_space<vmem>> -> memref<800xi32, #tpu.memory_space<vmem>>
      %dma_wait3A_112 = tpu.memref_slice %arg2[%multiple_of3A_5] : memref<819200xi32, #tpu.memory_space<hbm>> -> memref<800xi32, #tpu.memory_space<hbm>>
      %dma_wait3A_113 = arith.constant 0 : i32
      %dma_wait3A_114 = tpu.memref_slice %arg5[%dma_wait3A_113] : memref<25600xi32, #tpu.memory_space<vmem>> -> memref<800xi32, #tpu.memory_space<vmem>>
      %dma_wait3A_115 = tpu.memref_slice %arg2[%multiple_of3A_5] : memref<819200xi32, #tpu.memory_space<hbm>> -> memref<800xi32, #tpu.memory_space<hbm>>
      tpu.wait_dma2 semaphore(%run_scoped3A : memref<!tpu.dma_semaphore, #tpu.memory_space<semaphore_mem>>) src(%dma_wait3A_115 : memref<800xi32, #tpu.memory_space<hbm>>) dst(%dma_wait3A_114 : memref<800xi32, #tpu.memory_space<vmem>>)
      tpu.yield
    }) : () -> ()
    %mul3A_6 = arith.constant 25600 : i32
    %mul3A_7 = arith.muli %add3A, %mul3A_6 : i32
    %add3A_8 = arith.constant 800 : i32
    %add3A_9 = arith.addi %mul3A_7, %add3A_8 : i32
    %multiple_of3A_10 = tpu.assume_multiple %add3A_9, 8 : i32
    %dma_start3A = arith.constant 800 : i32
    %dma_start3A_11 = tpu.memref_slice %arg5[%dma_start3A] : memref<25600xi32, #tpu.memory_space<vmem>> -> memref<24800xi32, #tpu.memory_space<vmem>>
    %dma_start3A_12 = tpu.memref_slice %arg2[%multiple_of3A_10] : memref<819200xi32, #tpu.memory_space<hbm>> -> memref<24800xi32, #tpu.memory_space<hbm>>
    %dma_start3A_13 = arith.constant 800 : i32
    %dma_start3A_14 = tpu.memref_slice %arg5[%dma_start3A_13] : memref<25600xi32, #tpu.memory_space<vmem>> -> memref<24800xi32, #tpu.memory_space<vmem>>
    %dma_start3A_15 = tpu.memref_slice %arg2[%multiple_of3A_10] : memref<819200xi32, #tpu.memory_space<hbm>> -> memref<24800xi32, #tpu.memory_space<hbm>>
    tpu.enqueue_dma source(%dma_start3A_15 : memref<24800xi32, #tpu.memory_space<hbm>>) target(%dma_start3A_14 : memref<24800xi32, #tpu.memory_space<vmem>>) target_semaphore(%arg16 : memref<!tpu.dma_semaphore, #tpu.memory_space<semaphore_mem>>)
    %multiple_of3A_16 = arith.constant 0 : i32
    %multiple_of3A_17 = tpu.assume_multiple %multiple_of3A_16, 8 : i32
    %dma_start3A_18 = arith.constant 0 : i32
    %dma_start3A_19 = arith.constant 0 : i32
    %dma_start3A_20 = tpu.memref_slice %arg6[%dma_start3A_18, %dma_start3A_19] : memref<200x128xf32, #tpu.memory_space<vmem>> -> memref<96x128xf32, #tpu.memory_space<vmem>>
    %dma_start3A_21 = tpu.memref_slice %arg5[%multiple_of3A_17] : memref<25600xi32, #tpu.memory_space<vmem>> -> memref<96xi32, #tpu.memory_space<vmem>>
    %dma_start3A_22 = arith.constant 0 : i32
    %dma_start3A_23 = arith.constant 0 : i32
    %dma_start3A_24 = tpu.memref_slice %arg3[%dma_start3A_22, %dma_start3A_23] : memref<100000x128xf32, #tpu.memory_space<hbm>> -> memref<100000x128xf32, #tpu.memory_space<hbm>>
    tpu.enqueue_indirect_dma source(%dma_start3A_24 : memref<100000x128xf32, #tpu.memory_space<hbm>>) target(%dma_start3A_20 : memref<96x128xf32, #tpu.memory_space<vmem>>) offsets(%dma_start3A_21 : memref<96xi32, #tpu.memory_space<vmem>>) semaphore(%arg11 : memref<!tpu.dma_semaphore, #tpu.memory_space<semaphore_mem>>)
    %multiple_of3A_25 = arith.constant 96 : i32
    %multiple_of3A_26 = tpu.assume_multiple %multiple_of3A_25, 8 : i32
    %dma_start3A_27 = arith.constant 96 : i32
    %dma_start3A_28 = arith.constant 0 : i32
    %dma_start3A_29 = tpu.memref_slice %arg6[%dma_start3A_27, %dma_start3A_28] : memref<200x128xf32, #tpu.memory_space<vmem>> -> memref<104x128xf32, #tpu.memory_space<vmem>>
    %dma_start3A_30 = tpu.memref_slice %arg5[%multiple_of3A_26] : memref<25600xi32, #tpu.memory_space<vmem>> -> memref<104xi32, #tpu.memory_space<vmem>>
    %dma_start3A_31 = arith.constant 0 : i32
    %dma_start3A_32 = arith.constant 0 : i32
    %dma_start3A_33 = tpu.memref_slice %arg3[%dma_start3A_31, %dma_start3A_32] : memref<100000x128xf32, #tpu.memory_space<hbm>> -> memref<100000x128xf32, #tpu.memory_space<hbm>>
    tpu.enqueue_indirect_dma source(%dma_start3A_33 : memref<100000x128xf32, #tpu.memory_space<hbm>>) target(%dma_start3A_29 : memref<104x128xf32, #tpu.memory_space<vmem>>) offsets(%dma_start3A_30 : memref<104xi32, #tpu.memory_space<vmem>>) semaphore(%arg11 : memref<!tpu.dma_semaphore, #tpu.memory_space<semaphore_mem>>)
    %multiple_of3A_34 = arith.constant 200 : i32
    %multiple_of3A_35 = tpu.assume_multiple %multiple_of3A_34, 8 : i32
    %dma_start3A_36 = arith.constant 0 : i32
    %dma_start3A_37 = arith.constant 0 : i32
    %dma_start3A_38 = tpu.memref_slice %arg7[%dma_start3A_36, %dma_start3A_37] : memref<200x128xf32, #tpu.memory_space<vmem>> -> memref<96x128xf32, #tpu.memory_space<vmem>>
    %dma_start3A_39 = tpu.memref_slice %arg5[%multiple_of3A_35] : memref<25600xi32, #tpu.memory_space<vmem>> -> memref<96xi32, #tpu.memory_space<vmem>>
    %dma_start3A_40 = arith.constant 0 : i32
    %dma_start3A_41 = arith.constant 0 : i32
    %dma_start3A_42 = tpu.memref_slice %arg3[%dma_start3A_40, %dma_start3A_41] : memref<100000x128xf32, #tpu.memory_space<hbm>> -> memref<100000x128xf32, #tpu.memory_space<hbm>>
    tpu.enqueue_indirect_dma source(%dma_start3A_42 : memref<100000x128xf32, #tpu.memory_space<hbm>>) target(%dma_start3A_38 : memref<96x128xf32, #tpu.memory_space<vmem>>) offsets(%dma_start3A_39 : memref<96xi32, #tpu.memory_space<vmem>>) semaphore(%arg12 : memref<!tpu.dma_semaphore, #tpu.memory_space<semaphore_mem>>)
    %multiple_of3A_43 = arith.constant 296 : i32
    %multiple_of3A_44 = tpu.assume_multiple %multiple_of3A_43, 8 : i32
    %dma_start3A_45 = arith.constant 96 : i32
    %dma_start3A_46 = arith.constant 0 : i32
    %dma_start3A_47 = tpu.memref_slice %arg7[%dma_start3A_45, %dma_start3A_46] : memref<200x128xf32, #tpu.memory_space<vmem>> -> memref<104x128xf32, #tpu.memory_space<vmem>>
    %dma_start3A_48 = tpu.memref_slice %arg5[%multiple_of3A_44] : memref<25600xi32, #tpu.memory_space<vmem>> -> memref<104xi32, #tpu.memory_space<vmem>>
    %dma_start3A_49 = arith.constant 0 : i32
    %dma_start3A_50 = arith.constant 0 : i32
    %dma_start3A_51 = tpu.memref_slice %arg3[%dma_start3A_49, %dma_start3A_50] : memref<100000x128xf32, #tpu.memory_space<hbm>> -> memref<100000x128xf32, #tpu.memory_space<hbm>>
    tpu.enqueue_indirect_dma source(%dma_start3A_51 : memref<100000x128xf32, #tpu.memory_space<hbm>>) target(%dma_start3A_47 : memref<104x128xf32, #tpu.memory_space<vmem>>) offsets(%dma_start3A_48 : memref<104xi32, #tpu.memory_space<vmem>>) semaphore(%arg12 : memref<!tpu.dma_semaphore, #tpu.memory_space<semaphore_mem>>)
    %multiple_of3A_52 = arith.constant 400 : i32
    %multiple_of3A_53 = tpu.assume_multiple %multiple_of3A_52, 8 : i32
    %dma_start3A_54 = arith.constant 0 : i32
    %dma_start3A_55 = arith.constant 0 : i32
    %dma_start3A_56 = tpu.memref_slice %arg8[%dma_start3A_54, %dma_start3A_55] : memref<200x128xf32, #tpu.memory_space<vmem>> -> memref<96x128xf32, #tpu.memory_space<vmem>>
    %dma_start3A_57 = tpu.memref_slice %arg5[%multiple_of3A_53] : memref<25600xi32, #tpu.memory_space<vmem>> -> memref<96xi32, #tpu.memory_space<vmem>>
    %dma_start3A_58 = arith.constant 0 : i32
    %dma_start3A_59 = arith.constant 0 : i32
    %dma_start3A_60 = tpu.memref_slice %arg3[%dma_start3A_58, %dma_start3A_59] : memref<100000x128xf32, #tpu.memory_space<hbm>> -> memref<100000x128xf32, #tpu.memory_space<hbm>>
    tpu.enqueue_indirect_dma source(%dma_start3A_60 : memref<100000x128xf32, #tpu.memory_space<hbm>>) target(%dma_start3A_56 : memref<96x128xf32, #tpu.memory_space<vmem>>) offsets(%dma_start3A_57 : memref<96xi32, #tpu.memory_space<vmem>>) semaphore(%arg13 : memref<!tpu.dma_semaphore, #tpu.memory_space<semaphore_mem>>)
    %multiple_of3A_61 = arith.constant 496 : i32
    %multiple_of3A_62 = tpu.assume_multiple %multiple_of3A_61, 8 : i32
    %dma_start3A_63 = arith.constant 96 : i32
    %dma_start3A_64 = arith.constant 0 : i32
    %dma_start3A_65 = tpu.memref_slice %arg8[%dma_start3A_63, %dma_start3A_64] : memref<200x128xf32, #tpu.memory_space<vmem>> -> memref<104x128xf32, #tpu.memory_space<vmem>>
    %dma_start3A_66 = tpu.memref_slice %arg5[%multiple_of3A_62] : memref<25600xi32, #tpu.memory_space<vmem>> -> memref<104xi32, #tpu.memory_space<vmem>>
    %dma_start3A_67 = arith.constant 0 : i32
    %dma_start3A_68 = arith.constant 0 : i32
    %dma_start3A_69 = tpu.memref_slice %arg3[%dma_start3A_67, %dma_start3A_68] : memref<100000x128xf32, #tpu.memory_space<hbm>> -> memref<100000x128xf32, #tpu.memory_space<hbm>>
    tpu.enqueue_indirect_dma source(%dma_start3A_69 : memref<100000x128xf32, #tpu.memory_space<hbm>>) target(%dma_start3A_65 : memref<104x128xf32, #tpu.memory_space<vmem>>) offsets(%dma_start3A_66 : memref<104xi32, #tpu.memory_space<vmem>>) semaphore(%arg13 : memref<!tpu.dma_semaphore, #tpu.memory_space<semaphore_mem>>)
    %multiple_of3A_70 = arith.constant 600 : i32
    %multiple_of3A_71 = tpu.assume_multiple %multiple_of3A_70, 8 : i32
    %dma_start3A_72 = arith.constant 0 : i32
    %dma_start3A_73 = arith.constant 0 : i32
    %dma_start3A_74 = tpu.memref_slice %arg9[%dma_start3A_72, %dma_start3A_73] : memref<200x128xf32, #tpu.memory_space<vmem>> -> memref<96x128xf32, #tpu.memory_space<vmem>>
    %dma_start3A_75 = tpu.memref_slice %arg5[%multiple_of3A_71] : memref<25600xi32, #tpu.memory_space<vmem>> -> memref<96xi32, #tpu.memory_space<vmem>>
    %dma_start3A_76 = arith.constant 0 : i32
    %dma_start3A_77 = arith.constant 0 : i32
    %dma_start3A_78 = tpu.memref_slice %arg3[%dma_start3A_76, %dma_start3A_77] : memref<100000x128xf32, #tpu.memory_space<hbm>> -> memref<100000x128xf32, #tpu.memory_space<hbm>>
    tpu.enqueue_indirect_dma source(%dma_start3A_78 : memref<100000x128xf32, #tpu.memory_space<hbm>>) target(%dma_start3A_74 : memref<96x128xf32, #tpu.memory_space<vmem>>) offsets(%dma_start3A_75 : memref<96xi32, #tpu.memory_space<vmem>>) semaphore(%arg14 : memref<!tpu.dma_semaphore, #tpu.memory_space<semaphore_mem>>)
    %multiple_of3A_79 = arith.constant 696 : i32
    %multiple_of3A_80 = tpu.assume_multiple %multiple_of3A_79, 8 : i32
    %dma_start3A_81 = arith.constant 96 : i32
    %dma_start3A_82 = arith.constant 0 : i32
    %dma_start3A_83 = tpu.memref_slice %arg9[%dma_start3A_81, %dma_start3A_82] : memref<200x128xf32, #tpu.memory_space<vmem>> -> memref<104x128xf32, #tpu.memory_space<vmem>>
    %dma_start3A_84 = tpu.memref_slice %arg5[%multiple_of3A_80] : memref<25600xi32, #tpu.memory_space<vmem>> -> memref<104xi32, #tpu.memory_space<vmem>>
    %dma_start3A_85 = arith.constant 0 : i32
    %dma_start3A_86 = arith.constant 0 : i32
    %dma_start3A_87 = tpu.memref_slice %arg3[%dma_start3A_85, %dma_start3A_86] : memref<100000x128xf32, #tpu.memory_space<hbm>> -> memref<100000x128xf32, #tpu.memory_space<hbm>>
    tpu.enqueue_indirect_dma source(%dma_start3A_87 : memref<100000x128xf32, #tpu.memory_space<hbm>>) target(%dma_start3A_83 : memref<104x128xf32, #tpu.memory_space<vmem>>) offsets(%dma_start3A_84 : memref<104xi32, #tpu.memory_space<vmem>>) semaphore(%arg14 : memref<!tpu.dma_semaphore, #tpu.memory_space<semaphore_mem>>)
    %dma_wait3A = arith.constant 800 : i32
    %dma_wait3A_88 = tpu.memref_slice %arg5[%dma_wait3A] : memref<25600xi32, #tpu.memory_space<vmem>> -> memref<24800xi32, #tpu.memory_space<vmem>>
    %dma_wait3A_89 = tpu.memref_slice %arg2[%multiple_of3A_10] : memref<819200xi32, #tpu.memory_space<hbm>> -> memref<24800xi32, #tpu.memory_space<hbm>>
    %dma_wait3A_90 = arith.constant 800 : i32
    %dma_wait3A_91 = tpu.memref_slice %arg5[%dma_wait3A_90] : memref<25600xi32, #tpu.memory_space<vmem>> -> memref<24800xi32, #tpu.memory_space<vmem>>
    %dma_wait3A_92 = tpu.memref_slice %arg2[%multiple_of3A_10] : memref<819200xi32, #tpu.memory_space<hbm>> -> memref<24800xi32, #tpu.memory_space<hbm>>
    tpu.wait_dma2 semaphore(%arg16 : memref<!tpu.dma_semaphore, #tpu.memory_space<semaphore_mem>>) src(%dma_wait3A_92 : memref<24800xi32, #tpu.memory_space<hbm>>) dst(%dma_wait3A_91 : memref<24800xi32, #tpu.memory_space<vmem>>)
    %scan3A = arith.constant 0 : i32
    %scan3A_93 = arith.constant 0 : i32
    %scan3A_94 = arith.constant 32 : i32
    %scan3A_95 = arith.addi %scan3A_93, %scan3A_94 : i32
    %scan3A_96 = arith.constant 1 : i32
    scf.for %scan3A_104 = %scan3A_93 to %scan3A_95 step %scan3A_96  : i32 {
      %mul3A_105 = arith.constant 4 : i32
      %mul3A_106 = arith.muli %mul3A_105, %scan3A_104 : i32
      %add3A_107 = arith.constant 0 : i32
      %add3A_108 = arith.addi %mul3A_106, %add3A_107 : i32
      %dma_wait3A_109 = arith.constant 0 : i32
      %dma_wait3A_110 = arith.constant 0 : i32
      %dma_wait3A_111 = tpu.memref_slice %arg6[%dma_wait3A_109, %dma_wait3A_110] : memref<200x128xf32, #tpu.memory_space<vmem>> -> memref<96x128xf32, #tpu.memory_space<vmem>>
      %dma_wait3A_112 = arith.constant 0 : i32
      %dma_wait3A_113 = tpu.memref_slice %arg5[%dma_wait3A_112] : memref<25600xi32, #tpu.memory_space<vmem>> -> memref<96xi32, #tpu.memory_space<vmem>>
      %dma_wait3A_114 = arith.constant 0 : i32
      %dma_wait3A_115 = arith.constant 0 : i32
      %dma_wait3A_116 = tpu.memref_slice %arg3[%dma_wait3A_114, %dma_wait3A_115] : memref<100000x128xf32, #tpu.memory_space<hbm>> -> memref<100000x128xf32, #tpu.memory_space<hbm>>
      tpu.wait_indirect_dma semaphore(%arg11 : memref<!tpu.dma_semaphore, #tpu.memory_space<semaphore_mem>>) src(%dma_wait3A_116 : memref<100000x128xf32, #tpu.memory_space<hbm>>) dst(%dma_wait3A_111 : memref<96x128xf32, #tpu.memory_space<vmem>>)
      %dma_wait3A_117 = arith.constant 96 : i32
      %dma_wait3A_118 = arith.constant 0 : i32
      %dma_wait3A_119 = tpu.memref_slice %arg6[%dma_wait3A_117, %dma_wait3A_118] : memref<200x128xf32, #tpu.memory_space<vmem>> -> memref<104x128xf32, #tpu.memory_space<vmem>>
      %dma_wait3A_120 = arith.constant 0 : i32
      %dma_wait3A_121 = tpu.memref_slice %arg5[%dma_wait3A_120] : memref<25600xi32, #tpu.memory_space<vmem>> -> memref<104xi32, #tpu.memory_space<vmem>>
      %dma_wait3A_122 = arith.constant 0 : i32
      %dma_wait3A_123 = arith.constant 0 : i32
      %dma_wait3A_124 = tpu.memref_slice %arg3[%dma_wait3A_122, %dma_wait3A_123] : memref<100000x128xf32, #tpu.memory_space<hbm>> -> memref<100000x128xf32, #tpu.memory_space<hbm>>
      tpu.wait_indirect_dma semaphore(%arg11 : memref<!tpu.dma_semaphore, #tpu.memory_space<semaphore_mem>>) src(%dma_wait3A_124 : memref<100000x128xf32, #tpu.memory_space<hbm>>) dst(%dma_wait3A_119 : memref<104x128xf32, #tpu.memory_space<vmem>>)
      %broadcast_in_dim3A = arith.constant 0.000000e+00 : f32
      %broadcast_in_dim3A_125 = vector.broadcast %broadcast_in_dim3A : f32 to vector<16xf32>
      %broadcast_in_dim3A_126 = arith.constant 0.000000e+00 : f32
      %broadcast_in_dim3A_127 = vector.broadcast %broadcast_in_dim3A_126 : f32 to vector<16xf32>
      %broadcast_in_dim3A_128 = arith.constant 0.000000e+00 : f32
      %broadcast_in_dim3A_129 = vector.broadcast %broadcast_in_dim3A_128 : f32 to vector<16xf32>
      %broadcast_in_dim3A_130 = arith.constant 0.000000e+00 : f32
      %broadcast_in_dim3A_131 = vector.broadcast %broadcast_in_dim3A_130 : f32 to vector<16xf32>
      %broadcast_in_dim3A_132 = arith.constant 0.000000e+00 : f32
      %broadcast_in_dim3A_133 = vector.broadcast %broadcast_in_dim3A_132 : f32 to vector<16xf32>
      %broadcast_in_dim3A_134 = arith.constant 0.000000e+00 : f32
      %broadcast_in_dim3A_135 = vector.broadcast %broadcast_in_dim3A_134 : f32 to vector<16xf32>
      %broadcast_in_dim3A_136 = arith.constant 0.000000e+00 : f32
      %broadcast_in_dim3A_137 = vector.broadcast %broadcast_in_dim3A_136 : f32 to vector<16xf32>
      %broadcast_in_dim3A_138 = arith.constant 0.000000e+00 : f32
      %broadcast_in_dim3A_139 = vector.broadcast %broadcast_in_dim3A_138 : f32 to vector<16xf32>
      %parallel_loop3A = arith.constant 0 : i32
      %parallel_loop3A_140 = arith.constant 100 : i32
      %parallel_loop3A_141 = arith.constant 1 : i32
      %parallel_loop3A_142:8 = scf.for %parallel_loop3A_593 = %parallel_loop3A to %parallel_loop3A_140 step %parallel_loop3A_141 iter_args(%parallel_loop3A_594 = %broadcast_in_dim3A_125, %parallel_loop3A_595 = %broadcast_in_dim3A_127, %parallel_loop3A_596 = %broadcast_in_dim3A_129, %parallel_loop3A_597 = %broadcast_in_dim3A_131, %parallel_loop3A_598 = %broadcast_in_dim3A_133, %parallel_loop3A_599 = %broadcast_in_dim3A_135, %parallel_loop3A_600 = %broadcast_in_dim3A_137, %parallel_loop3A_601 = %broadcast_in_dim3A_139) -> (vector<16xf32>, vector<16xf32>, vector<16xf32>, vector<16xf32>, vector<16xf32>, vector<16xf32>, vector<16xf32>, vector<16xf32>)  : i32 {
        %parallel_loop3A_602 = arith.constant 0 : i32
        %parallel_loop3A_603 = arith.addi %parallel_loop3A_593, %parallel_loop3A_602 : i32
        %parallel_loop3A_604 = arith.index_cast %parallel_loop3A_603 : i32 to index
        %parallel_loop3A_605 = arith.constant 0 : index
        %parallel_loop3A_606 = tpu.vector_load %arg6[%parallel_loop3A_604, %parallel_loop3A_605] {strides = array<i32>} : memref<200x128xf32, #tpu.memory_space<vmem>>, vector<1x16xf32>,
        %parallel_loop3A_607 = vector.shape_cast %parallel_loop3A_606 : vector<1x16xf32> to vector<16xf32>
        %parallel_loop3A_608 = arith.addf %parallel_loop3A_594, %parallel_loop3A_607 : vector<16xf32>
        %parallel_loop3A_609 = arith.constant 0 : i32
        %parallel_loop3A_610 = arith.addi %parallel_loop3A_593, %parallel_loop3A_609 : i32
        %parallel_loop3A_611 = arith.index_cast %parallel_loop3A_610 : i32 to index
        %parallel_loop3A_612 = arith.constant 16 : index
        %parallel_loop3A_613 = tpu.vector_load %arg6[%parallel_loop3A_611, %parallel_loop3A_612] {strides = array<i32>} : memref<200x128xf32, #tpu.memory_space<vmem>>, vector<1x16xf32>,
        %parallel_loop3A_614 = vector.shape_cast %parallel_loop3A_613 : vector<1x16xf32> to vector<16xf32>
        %parallel_loop3A_615 = arith.addf %parallel_loop3A_595, %parallel_loop3A_614 : vector<16xf32>
        %parallel_loop3A_616 = arith.constant 0 : i32
        %parallel_loop3A_617 = arith.addi %parallel_loop3A_593, %parallel_loop3A_616 : i32
        %parallel_loop3A_618 = arith.index_cast %parallel_loop3A_617 : i32 to index
        %parallel_loop3A_619 = arith.constant 32 : index
        %parallel_loop3A_620 = tpu.vector_load %arg6[%parallel_loop3A_618, %parallel_loop3A_619] {strides = array<i32>} : memref<200x128xf32, #tpu.memory_space<vmem>>, vector<1x16xf32>,
        %parallel_loop3A_621 = vector.shape_cast %parallel_loop3A_620 : vector<1x16xf32> to vector<16xf32>
        %parallel_loop3A_622 = arith.addf %parallel_loop3A_596, %parallel_loop3A_621 : vector<16xf32>
        %parallel_loop3A_623 = arith.constant 0 : i32
        %parallel_loop3A_624 = arith.addi %parallel_loop3A_593, %parallel_loop3A_623 : i32
        %parallel_loop3A_625 = arith.index_cast %parallel_loop3A_624 : i32 to index
        %parallel_loop3A_626 = arith.constant 48 : index
        %parallel_loop3A_627 = tpu.vector_load %arg6[%parallel_loop3A_625, %parallel_loop3A_626] {strides = array<i32>} : memref<200x128xf32, #tpu.memory_space<vmem>>, vector<1x16xf32>,
        %parallel_loop3A_628 = vector.shape_cast %parallel_loop3A_627 : vector<1x16xf32> to vector<16xf32>
        %parallel_loop3A_629 = arith.addf %parallel_loop3A_597, %parallel_loop3A_628 : vector<16xf32>
        %parallel_loop3A_630 = arith.constant 0 : i32
        %parallel_loop3A_631 = arith.addi %parallel_loop3A_593, %parallel_loop3A_630 : i32
        %parallel_loop3A_632 = arith.index_cast %parallel_loop3A_631 : i32 to index
        %parallel_loop3A_633 = arith.constant 64 : index
        %parallel_loop3A_634 = tpu.vector_load %arg6[%parallel_loop3A_632, %parallel_loop3A_633] {strides = array<i32>} : memref<200x128xf32, #tpu.memory_space<vmem>>, vector<1x16xf32>,
        %parallel_loop3A_635 = vector.shape_cast %parallel_loop3A_634 : vector<1x16xf32> to vector<16xf32>
        %parallel_loop3A_636 = arith.addf %parallel_loop3A_598, %parallel_loop3A_635 : vector<16xf32>
        %parallel_loop3A_637 = arith.constant 0 : i32
        %parallel_loop3A_638 = arith.addi %parallel_loop3A_593, %parallel_loop3A_637 : i32
        %parallel_loop3A_639 = arith.index_cast %parallel_loop3A_638 : i32 to index
        %parallel_loop3A_640 = arith.constant 80 : index
        %parallel_loop3A_641 = tpu.vector_load %arg6[%parallel_loop3A_639, %parallel_loop3A_640] {strides = array<i32>} : memref<200x128xf32, #tpu.memory_space<vmem>>, vector<1x16xf32>,
        %parallel_loop3A_642 = vector.shape_cast %parallel_loop3A_641 : vector<1x16xf32> to vector<16xf32>
        %parallel_loop3A_643 = arith.addf %parallel_loop3A_599, %parallel_loop3A_642 : vector<16xf32>
        %parallel_loop3A_644 = arith.constant 0 : i32
        %parallel_loop3A_645 = arith.addi %parallel_loop3A_593, %parallel_loop3A_644 : i32
        %parallel_loop3A_646 = arith.index_cast %parallel_loop3A_645 : i32 to index
        %parallel_loop3A_647 = arith.constant 96 : index
        %parallel_loop3A_648 = tpu.vector_load %arg6[%parallel_loop3A_646, %parallel_loop3A_647] {strides = array<i32>} : memref<200x128xf32, #tpu.memory_space<vmem>>, vector<1x16xf32>,
        %parallel_loop3A_649 = vector.shape_cast %parallel_loop3A_648 : vector<1x16xf32> to vector<16xf32>
        %parallel_loop3A_650 = arith.addf %parallel_loop3A_600, %parallel_loop3A_649 : vector<16xf32>
        %parallel_loop3A_651 = arith.constant 0 : i32
        %parallel_loop3A_652 = arith.addi %parallel_loop3A_593, %parallel_loop3A_651 : i32
        %parallel_loop3A_653 = arith.index_cast %parallel_loop3A_652 : i32 to index
        %parallel_loop3A_654 = arith.constant 112 : index
        %parallel_loop3A_655 = tpu.vector_load %arg6[%parallel_loop3A_653, %parallel_loop3A_654] {strides = array<i32>} : memref<200x128xf32, #tpu.memory_space<vmem>>, vector<1x16xf32>,
        %parallel_loop3A_656 = vector.shape_cast %parallel_loop3A_655 : vector<1x16xf32> to vector<16xf32>
        %parallel_loop3A_657 = arith.addf %parallel_loop3A_601, %parallel_loop3A_656 : vector<16xf32>
        %parallel_loop3A_658 = arith.constant 100 : i32
        %parallel_loop3A_659 = arith.addi %parallel_loop3A_593, %parallel_loop3A_658 : i32
        %parallel_loop3A_660 = arith.index_cast %parallel_loop3A_659 : i32 to index
        %parallel_loop3A_661 = arith.constant 0 : index
        %parallel_loop3A_662 = tpu.vector_load %arg6[%parallel_loop3A_660, %parallel_loop3A_661] {strides = array<i32>} : memref<200x128xf32, #tpu.memory_space<vmem>>, vector<1x16xf32>,
        %parallel_loop3A_663 = vector.shape_cast %parallel_loop3A_662 : vector<1x16xf32> to vector<16xf32>
        %parallel_loop3A_664 = arith.addf %parallel_loop3A_608, %parallel_loop3A_663 : vector<16xf32>
        %parallel_loop3A_665 = arith.constant 100 : i32
        %parallel_loop3A_666 = arith.addi %parallel_loop3A_593, %parallel_loop3A_665 : i32
        %parallel_loop3A_667 = arith.index_cast %parallel_loop3A_666 : i32 to index
        %parallel_loop3A_668 = arith.constant 16 : index
        %parallel_loop3A_669 = tpu.vector_load %arg6[%parallel_loop3A_667, %parallel_loop3A_668] {strides = array<i32>} : memref<200x128xf32, #tpu.memory_space<vmem>>, vector<1x16xf32>,
        %parallel_loop3A_670 = vector.shape_cast %parallel_loop3A_669 : vector<1x16xf32> to vector<16xf32>
        %parallel_loop3A_671 = arith.addf %parallel_loop3A_615, %parallel_loop3A_670 : vector<16xf32>
        %parallel_loop3A_672 = arith.constant 100 : i32
        %parallel_loop3A_673 = arith.addi %parallel_loop3A_593, %parallel_loop3A_672 : i32
        %parallel_loop3A_674 = arith.index_cast %parallel_loop3A_673 : i32 to index
        %parallel_loop3A_675 = arith.constant 32 : index
        %parallel_loop3A_676 = tpu.vector_load %arg6[%parallel_loop3A_674, %parallel_loop3A_675] {strides = array<i32>} : memref<200x128xf32, #tpu.memory_space<vmem>>, vector<1x16xf32>,
        %parallel_loop3A_677 = vector.shape_cast %parallel_loop3A_676 : vector<1x16xf32> to vector<16xf32>
        %parallel_loop3A_678 = arith.addf %parallel_loop3A_622, %parallel_loop3A_677 : vector<16xf32>
        %parallel_loop3A_679 = arith.constant 100 : i32
        %parallel_loop3A_680 = arith.addi %parallel_loop3A_593, %parallel_loop3A_679 : i32
        %parallel_loop3A_681 = arith.index_cast %parallel_loop3A_680 : i32 to index
        %parallel_loop3A_682 = arith.constant 48 : index
        %parallel_loop3A_683 = tpu.vector_load %arg6[%parallel_loop3A_681, %parallel_loop3A_682] {strides = array<i32>} : memref<200x128xf32, #tpu.memory_space<vmem>>, vector<1x16xf32>,
        %parallel_loop3A_684 = vector.shape_cast %parallel_loop3A_683 : vector<1x16xf32> to vector<16xf32>
        %parallel_loop3A_685 = arith.addf %parallel_loop3A_629, %parallel_loop3A_684 : vector<16xf32>
        %parallel_loop3A_686 = arith.constant 100 : i32
        %parallel_loop3A_687 = arith.addi %parallel_loop3A_593, %parallel_loop3A_686 : i32
        %parallel_loop3A_688 = arith.index_cast %parallel_loop3A_687 : i32 to index
        %parallel_loop3A_689 = arith.constant 64 : index
        %parallel_loop3A_690 = tpu.vector_load %arg6[%parallel_loop3A_688, %parallel_loop3A_689] {strides = array<i32>} : memref<200x128xf32, #tpu.memory_space<vmem>>, vector<1x16xf32>,
        %parallel_loop3A_691 = vector.shape_cast %parallel_loop3A_690 : vector<1x16xf32> to vector<16xf32>
        %parallel_loop3A_692 = arith.addf %parallel_loop3A_636, %parallel_loop3A_691 : vector<16xf32>
        %parallel_loop3A_693 = arith.constant 100 : i32
        %parallel_loop3A_694 = arith.addi %parallel_loop3A_593, %parallel_loop3A_693 : i32
        %parallel_loop3A_695 = arith.index_cast %parallel_loop3A_694 : i32 to index
        %parallel_loop3A_696 = arith.constant 80 : index
        %parallel_loop3A_697 = tpu.vector_load %arg6[%parallel_loop3A_695, %parallel_loop3A_696] {strides = array<i32>} : memref<200x128xf32, #tpu.memory_space<vmem>>, vector<1x16xf32>,
        %parallel_loop3A_698 = vector.shape_cast %parallel_loop3A_697 : vector<1x16xf32> to vector<16xf32>
        %parallel_loop3A_699 = arith.addf %parallel_loop3A_643, %parallel_loop3A_698 : vector<16xf32>
        %parallel_loop3A_700 = arith.constant 100 : i32
        %parallel_loop3A_701 = arith.addi %parallel_loop3A_593, %parallel_loop3A_700 : i32
        %parallel_loop3A_702 = arith.index_cast %parallel_loop3A_701 : i32 to index
        %parallel_loop3A_703 = arith.constant 96 : index
        %parallel_loop3A_704 = tpu.vector_load %arg6[%parallel_loop3A_702, %parallel_loop3A_703] {strides = array<i32>} : memref<200x128xf32, #tpu.memory_space<vmem>>, vector<1x16xf32>,
        %parallel_loop3A_705 = vector.shape_cast %parallel_loop3A_704 : vector<1x16xf32> to vector<16xf32>
        %parallel_loop3A_706 = arith.addf %parallel_loop3A_650, %parallel_loop3A_705 : vector<16xf32>
        %parallel_loop3A_707 = arith.constant 100 : i32
        %parallel_loop3A_708 = arith.addi %parallel_loop3A_593, %parallel_loop3A_707 : i32
        %parallel_loop3A_709 = arith.index_cast %parallel_loop3A_708 : i32 to index
        %parallel_loop3A_710 = arith.constant 112 : index
        %parallel_loop3A_711 = tpu.vector_load %arg6[%parallel_loop3A_709, %parallel_loop3A_710] {strides = array<i32>} : memref<200x128xf32, #tpu.memory_space<vmem>>, vector<1x16xf32>,
        %parallel_loop3A_712 = vector.shape_cast %parallel_loop3A_711 : vector<1x16xf32> to vector<16xf32>
        %parallel_loop3A_713 = arith.addf %parallel_loop3A_657, %parallel_loop3A_712 : vector<16xf32>
        scf.yield %parallel_loop3A_664, %parallel_loop3A_671, %parallel_loop3A_678, %parallel_loop3A_685, %parallel_loop3A_692, %parallel_loop3A_699, %parallel_loop3A_706, %parallel_loop3A_713 : vector<16xf32>, vector<16xf32>, vector<16xf32>, vector<16xf32>, vector<16xf32>, vector<16xf32>, vector<16xf32>, vector<16xf32>
      } {sc.loop_unroll_factor = 2 : i64, sc.parallel_access}
      %rem3A = arith.constant 8 : i32
      %rem3A_143 = arith.remsi %add3A_108, %rem3A : i32
      %eq3A = arith.constant 0 : i32
      %eq3A_144 = arith.cmpi eq, %rem3A_143, %eq3A : i32
      %ge3A = arith.constant 8 : i32
      %ge3A_145 = arith.cmpi sge, %add3A_108, %ge3A : i32
      %and3A = arith.andi %eq3A_144, %ge3A_145 : i1
      %convert_element_type3A = arith.extui %and3A : i1 to i32
      %cond3A = arith.constant 0 : i32
      %cond3A_146 = arith.cmpi ne, %convert_element_type3A, %cond3A : i32
      scf.if %cond3A_146 {
        %dma_wait3A_593 = arith.constant 0 : i32
        %dma_wait3A_594 = arith.constant 0 : i32
        %dma_wait3A_595 = tpu.memref_slice %arg4[%dma_wait3A_593, %dma_wait3A_594] : memref<4096x128xf32, #tpu.memory_space<hbm>> -> memref<8x128xf32, #tpu.memory_space<hbm>>
        %dma_wait3A_596 = arith.constant 0 : i32
        %dma_wait3A_597 = arith.constant 0 : i32
        %dma_wait3A_598 = tpu.memref_slice %arg4[%dma_wait3A_596, %dma_wait3A_597] : memref<4096x128xf32, #tpu.memory_space<hbm>> -> memref<8x128xf32, #tpu.memory_space<hbm>>
        tpu.wait_dma2 semaphore(%arg15 : memref<!tpu.dma_semaphore, #tpu.memory_space<semaphore_mem>>) src(%dma_wait3A_598 : memref<8x128xf32, #tpu.memory_space<hbm>>) dst(%arg10 : memref<8x128xf32, #tpu.memory_space<vmem>>)
      } else {
      }
      %mul3A_147 = arith.constant 5.000000e-03 : f32
      %mul3A_148 = vector.broadcast %mul3A_147 : f32 to vector<16xf32>
      %mul3A_149 = arith.mulf %parallel_loop3A_142#0, %mul3A_148 : vector<16xf32>
      %swap3A = arith.index_cast %rem3A_143 : i32 to index
      %swap3A_150 = arith.constant 0 : index
      %swap3A_151 = tpu.vector_load %arg10[%swap3A, %swap3A_150] {strides = array<i32>} : memref<8x128xf32, #tpu.memory_space<vmem>>, vector<1x16xf32>,
      %swap3A_152 = vector.shape_cast %swap3A_151 : vector<1x16xf32> to vector<16xf32>
      %swap3A_153 = vector.shape_cast %mul3A_149 : vector<16xf32> to vector<1x16xf32>
      tpu.vector_store %arg10[%swap3A, %swap3A_150], %swap3A_153 {strides = array<i32>} : memref<8x128xf32, #tpu.memory_space<vmem>>, vector<1x16xf32>,
      %mul3A_154 = arith.constant 5.000000e-03 : f32
      %mul3A_155 = vector.broadcast %mul3A_154 : f32 to vector<16xf32>
      %mul3A_156 = arith.mulf %parallel_loop3A_142#1, %mul3A_155 : vector<16xf32>
      %swap3A_157 = arith.index_cast %rem3A_143 : i32 to index
      %swap3A_158 = arith.constant 16 : index
      %swap3A_159 = tpu.vector_load %arg10[%swap3A_157, %swap3A_158] {strides = array<i32>} : memref<8x128xf32, #tpu.memory_space<vmem>>, vector<1x16xf32>,
      %swap3A_160 = vector.shape_cast %swap3A_159 : vector<1x16xf32> to vector<16xf32>
      %swap3A_161 = vector.shape_cast %mul3A_156 : vector<16xf32> to vector<1x16xf32>
      tpu.vector_store %arg10[%swap3A_157, %swap3A_158], %swap3A_161 {strides = array<i32>} : memref<8x128xf32, #tpu.memory_space<vmem>>, vector<1x16xf32>,
      %mul3A_162 = arith.constant 5.000000e-03 : f32
      %mul3A_163 = vector.broadcast %mul3A_162 : f32 to vector<16xf32>
      %mul3A_164 = arith.mulf %parallel_loop3A_142#2, %mul3A_163 : vector<16xf32>
      %swap3A_165 = arith.index_cast %rem3A_143 : i32 to index
      %swap3A_166 = arith.constant 32 : index
      %swap3A_167 = tpu.vector_load %arg10[%swap3A_165, %swap3A_166] {strides = array<i32>} : memref<8x128xf32, #tpu.memory_space<vmem>>, vector<1x16xf32>,
      %swap3A_168 = vector.shape_cast %swap3A_167 : vector<1x16xf32> to vector<16xf32>
      %swap3A_169 = vector.shape_cast %mul3A_164 : vector<16xf32> to vector<1x16xf32>
      tpu.vector_store %arg10[%swap3A_165, %swap3A_166], %swap3A_169 {strides = array<i32>} : memref<8x128xf32, #tpu.memory_space<vmem>>, vector<1x16xf32>,
      %mul3A_170 = arith.constant 5.000000e-03 : f32
      %mul3A_171 = vector.broadcast %mul3A_170 : f32 to vector<16xf32>
      %mul3A_172 = arith.mulf %parallel_loop3A_142#3, %mul3A_171 : vector<16xf32>
      %swap3A_173 = arith.index_cast %rem3A_143 : i32 to index
      %swap3A_174 = arith.constant 48 : index
      %swap3A_175 = tpu.vector_load %arg10[%swap3A_173, %swap3A_174] {strides = array<i32>} : memref<8x128xf32, #tpu.memory_space<vmem>>, vector<1x16xf32>,
      %swap3A_176 = vector.shape_cast %swap3A_175 : vector<1x16xf32> to vector<16xf32>
      %swap3A_177 = vector.shape_cast %mul3A_172 : vector<16xf32> to vector<1x16xf32>
      tpu.vector_store %arg10[%swap3A_173, %swap3A_174], %swap3A_177 {strides = array<i32>} : memref<8x128xf32, #tpu.memory_space<vmem>>, vector<1x16xf32>,
      %mul3A_178 = arith.constant 5.000000e-03 : f32
      %mul3A_179 = vector.broadcast %mul3A_178 : f32 to vector<16xf32>
      %mul3A_180 = arith.mulf %parallel_loop3A_142#4, %mul3A_179 : vector<16xf32>
      %swap3A_181 = arith.index_cast %rem3A_143 : i32 to index
      %swap3A_182 = arith.constant 64 : index
      %swap3A_183 = tpu.vector_load %arg10[%swap3A_181, %swap3A_182] {strides = array<i32>} : memref<8x128xf32, #tpu.memory_space<vmem>>, vector<1x16xf32>,
      %swap3A_184 = vector.shape_cast %swap3A_183 : vector<1x16xf32> to vector<16xf32>
      %swap3A_185 = vector.shape_cast %mul3A_180 : vector<16xf32> to vector<1x16xf32>
      tpu.vector_store %arg10[%swap3A_181, %swap3A_182], %swap3A_185 {strides = array<i32>} : memref<8x128xf32, #tpu.memory_space<vmem>>, vector<1x16xf32>,
      %mul3A_186 = arith.constant 5.000000e-03 : f32
      %mul3A_187 = vector.broadcast %mul3A_186 : f32 to vector<16xf32>
      %mul3A_188 = arith.mulf %parallel_loop3A_142#5, %mul3A_187 : vector<16xf32>
      %swap3A_189 = arith.index_cast %rem3A_143 : i32 to index
      %swap3A_190 = arith.constant 80 : index
      %swap3A_191 = tpu.vector_load %arg10[%swap3A_189, %swap3A_190] {strides = array<i32>} : memref<8x128xf32, #tpu.memory_space<vmem>>, vector<1x16xf32>,
      %swap3A_192 = vector.shape_cast %swap3A_191 : vector<1x16xf32> to vector<16xf32>
      %swap3A_193 = vector.shape_cast %mul3A_188 : vector<16xf32> to vector<1x16xf32>
      tpu.vector_store %arg10[%swap3A_189, %swap3A_190], %swap3A_193 {strides = array<i32>} : memref<8x128xf32, #tpu.memory_space<vmem>>, vector<1x16xf32>,
      %mul3A_194 = arith.constant 5.000000e-03 : f32
      %mul3A_195 = vector.broadcast %mul3A_194 : f32 to vector<16xf32>
      %mul3A_196 = arith.mulf %parallel_loop3A_142#6, %mul3A_195 : vector<16xf32>
      %swap3A_197 = arith.index_cast %rem3A_143 : i32 to index
      %swap3A_198 = arith.constant 96 : index
      %swap3A_199 = tpu.vector_load %arg10[%swap3A_197, %swap3A_198] {strides = array<i32>} : memref<8x128xf32, #tpu.memory_space<vmem>>, vector<1x16xf32>,
      %swap3A_200 = vector.shape_cast %swap3A_199 : vector<1x16xf32> to vector<16xf32>
      %swap3A_201 = vector.shape_cast %mul3A_196 : vector<16xf32> to vector<1x16xf32>
      tpu.vector_store %arg10[%swap3A_197, %swap3A_198], %swap3A_201 {strides = array<i32>} : memref<8x128xf32, #tpu.memory_space<vmem>>, vector<1x16xf32>,
      %mul3A_202 = arith.constant 5.000000e-03 : f32
      %mul3A_203 = vector.broadcast %mul3A_202 : f32 to vector<16xf32>
      %mul3A_204 = arith.mulf %parallel_loop3A_142#7, %mul3A_203 : vector<16xf32>
      %swap3A_205 = arith.index_cast %rem3A_143 : i32 to index
      %swap3A_206 = arith.constant 112 : index
      %swap3A_207 = tpu.vector_load %arg10[%swap3A_205, %swap3A_206] {strides = array<i32>} : memref<8x128xf32, #tpu.memory_space<vmem>>, vector<1x16xf32>,
      %swap3A_208 = vector.shape_cast %swap3A_207 : vector<1x16xf32> to vector<16xf32>
      %swap3A_209 = vector.shape_cast %mul3A_204 : vector<16xf32> to vector<1x16xf32>
      tpu.vector_store %arg10[%swap3A_205, %swap3A_206], %swap3A_209 {strides = array<i32>} : memref<8x128xf32, #tpu.memory_space<vmem>>, vector<1x16xf32>,
      %eq3A_210 = arith.constant 7 : i32
      %eq3A_211 = arith.cmpi eq, %rem3A_143, %eq3A_210 : i32
      %convert_element_type3A_212 = arith.extui %eq3A_211 : i1 to i32
      %cond3A_213 = arith.constant 0 : i32
      %cond3A_214 = arith.cmpi ne, %convert_element_type3A_212, %cond3A_213 : i32
      scf.if %cond3A_214 {
        %add3A_593 = arith.addi %multiple_of3A, %add3A_108 : i32
        %sub3A = arith.constant 7 : i32
        %sub3A_594 = arith.subi %add3A_593, %sub3A : i32
        %multiple_of3A_595 = tpu.assume_multiple %sub3A_594, 8 : i32
        %dma_start3A_596 = arith.constant 0 : i32
        %dma_start3A_597 = tpu.memref_slice %arg4[%multiple_of3A_595, %dma_start3A_596] : memref<4096x128xf32, #tpu.memory_space<hbm>> -> memref<8x128xf32, #tpu.memory_space<hbm>>
        %dma_start3A_598 = arith.constant 0 : i32
        %dma_start3A_599 = tpu.memref_slice %arg4[%multiple_of3A_595, %dma_start3A_598] : memref<4096x128xf32, #tpu.memory_space<hbm>> -> memref<8x128xf32, #tpu.memory_space<hbm>>
        tpu.enqueue_dma source(%arg10 : memref<8x128xf32, #tpu.memory_space<vmem>>) target(%dma_start3A_599 : memref<8x128xf32, #tpu.memory_space<hbm>>) target_semaphore(%arg15 : memref<!tpu.dma_semaphore, #tpu.memory_space<semaphore_mem>>)
      } else {
      }
      %add3A_215 = arith.constant 4 : i32
      %add3A_216 = arith.addi %add3A_108, %add3A_215 : i32
      %lt3A = arith.constant 128 : i32
      %lt3A_217 = arith.cmpi slt, %add3A_216, %lt3A : i32
      %convert_element_type3A_218 = arith.extui %lt3A_217 : i1 to i32
      %cond3A_219 = arith.constant 0 : i32
      %cond3A_220 = arith.cmpi ne, %convert_element_type3A_218, %cond3A_219 : i32
      scf.if %cond3A_220 {
        %add3A_593 = arith.constant 4 : i32
        %add3A_594 = arith.addi %add3A_108, %add3A_593 : i32
        %mul3A_595 = arith.constant 200 : i32
        %mul3A_596 = arith.muli %add3A_594, %mul3A_595 : i32
        %add3A_597 = arith.constant 0 : i32
        %add3A_598 = arith.addi %mul3A_596, %add3A_597 : i32
        %multiple_of3A_599 = tpu.assume_multiple %add3A_598, 8 : i32
        %dma_start3A_600 = arith.constant 0 : i32
        %dma_start3A_601 = arith.constant 0 : i32
        %dma_start3A_602 = tpu.memref_slice %arg6[%dma_start3A_600, %dma_start3A_601] : memref<200x128xf32, #tpu.memory_space<vmem>> -> memref<96x128xf32, #tpu.memory_space<vmem>>
        %dma_start3A_603 = tpu.memref_slice %arg5[%multiple_of3A_599] : memref<25600xi32, #tpu.memory_space<vmem>> -> memref<96xi32, #tpu.memory_space<vmem>>
        %dma_start3A_604 = arith.constant 0 : i32
        %dma_start3A_605 = arith.constant 0 : i32
        %dma_start3A_606 = tpu.memref_slice %arg3[%dma_start3A_604, %dma_start3A_605] : memref<100000x128xf32, #tpu.memory_space<hbm>> -> memref<100000x128xf32, #tpu.memory_space<hbm>>
        tpu.enqueue_indirect_dma source(%dma_start3A_606 : memref<100000x128xf32, #tpu.memory_space<hbm>>) target(%dma_start3A_602 : memref<96x128xf32, #tpu.memory_space<vmem>>) offsets(%dma_start3A_603 : memref<96xi32, #tpu.memory_space<vmem>>) semaphore(%arg11 : memref<!tpu.dma_semaphore, #tpu.memory_space<semaphore_mem>>)
        %mul3A_607 = arith.constant 200 : i32
        %mul3A_608 = arith.muli %add3A_594, %mul3A_607 : i32
        %add3A_609 = arith.constant 96 : i32
        %add3A_610 = arith.addi %mul3A_608, %add3A_609 : i32
        %multiple_of3A_611 = tpu.assume_multiple %add3A_610, 8 : i32
        %dma_start3A_612 = arith.constant 96 : i32
        %dma_start3A_613 = arith.constant 0 : i32
        %dma_start3A_614 = tpu.memref_slice %arg6[%dma_start3A_612, %dma_start3A_613] : memref<200x128xf32, #tpu.memory_space<vmem>> -> memref<104x128xf32, #tpu.memory_space<vmem>>
        %dma_start3A_615 = tpu.memref_slice %arg5[%multiple_of3A_611] : memref<25600xi32, #tpu.memory_space<vmem>> -> memref<104xi32, #tpu.memory_space<vmem>>
        %dma_start3A_616 = arith.constant 0 : i32
        %dma_start3A_617 = arith.constant 0 : i32
        %dma_start3A_618 = tpu.memref_slice %arg3[%dma_start3A_616, %dma_start3A_617] : memref<100000x128xf32, #tpu.memory_space<hbm>> -> memref<100000x128xf32, #tpu.memory_space<hbm>>
        tpu.enqueue_indirect_dma source(%dma_start3A_618 : memref<100000x128xf32, #tpu.memory_space<hbm>>) target(%dma_start3A_614 : memref<104x128xf32, #tpu.memory_space<vmem>>) offsets(%dma_start3A_615 : memref<104xi32, #tpu.memory_space<vmem>>) semaphore(%arg11 : memref<!tpu.dma_semaphore, #tpu.memory_space<semaphore_mem>>)
      } else {
      }
      %add3A_221 = arith.constant 1 : i32
      %add3A_222 = arith.addi %mul3A_106, %add3A_221 : i32
      %dma_wait3A_223 = arith.constant 0 : i32
      %dma_wait3A_224 = arith.constant 0 : i32
      %dma_wait3A_225 = tpu.memref_slice %arg7[%dma_wait3A_223, %dma_wait3A_224] : memref<200x128xf32, #tpu.memory_space<vmem>> -> memref<96x128xf32, #tpu.memory_space<vmem>>
      %dma_wait3A_226 = arith.constant 0 : i32
      %dma_wait3A_227 = tpu.memref_slice %arg5[%dma_wait3A_226] : memref<25600xi32, #tpu.memory_space<vmem>> -> memref<96xi32, #tpu.memory_space<vmem>>
      %dma_wait3A_228 = arith.constant 0 : i32
      %dma_wait3A_229 = arith.constant 0 : i32
      %dma_wait3A_230 = tpu.memref_slice %arg3[%dma_wait3A_228, %dma_wait3A_229] : memref<100000x128xf32, #tpu.memory_space<hbm>> -> memref<100000x128xf32, #tpu.memory_space<hbm>>
      tpu.wait_indirect_dma semaphore(%arg12 : memref<!tpu.dma_semaphore, #tpu.memory_space<semaphore_mem>>) src(%dma_wait3A_230 : memref<100000x128xf32, #tpu.memory_space<hbm>>) dst(%dma_wait3A_225 : memref<96x128xf32, #tpu.memory_space<vmem>>)
      %dma_wait3A_231 = arith.constant 96 : i32
      %dma_wait3A_232 = arith.constant 0 : i32
      %dma_wait3A_233 = tpu.memref_slice %arg7[%dma_wait3A_231, %dma_wait3A_232] : memref<200x128xf32, #tpu.memory_space<vmem>> -> memref<104x128xf32, #tpu.memory_space<vmem>>
      %dma_wait3A_234 = arith.constant 0 : i32
      %dma_wait3A_235 = tpu.memref_slice %arg5[%dma_wait3A_234] : memref<25600xi32, #tpu.memory_space<vmem>> -> memref<104xi32, #tpu.memory_space<vmem>>
      %dma_wait3A_236 = arith.constant 0 : i32
      %dma_wait3A_237 = arith.constant 0 : i32
      %dma_wait3A_238 = tpu.memref_slice %arg3[%dma_wait3A_236, %dma_wait3A_237] : memref<100000x128xf32, #tpu.memory_space<hbm>> -> memref<100000x128xf32, #tpu.memory_space<hbm>>
      tpu.wait_indirect_dma semaphore(%arg12 : memref<!tpu.dma_semaphore, #tpu.memory_space<semaphore_mem>>) src(%dma_wait3A_238 : memref<100000x128xf32, #tpu.memory_space<hbm>>) dst(%dma_wait3A_233 : memref<104x128xf32, #tpu.memory_space<vmem>>)
      %broadcast_in_dim3A_239 = arith.constant 0.000000e+00 : f32
      %broadcast_in_dim3A_240 = vector.broadcast %broadcast_in_dim3A_239 : f32 to vector<16xf32>
      %broadcast_in_dim3A_241 = arith.constant 0.000000e+00 : f32
      %broadcast_in_dim3A_242 = vector.broadcast %broadcast_in_dim3A_241 : f32 to vector<16xf32>
      %broadcast_in_dim3A_243 = arith.constant 0.000000e+00 : f32
      %broadcast_in_dim3A_244 = vector.broadcast %broadcast_in_dim3A_243 : f32 to vector<16xf32>
      %broadcast_in_dim3A_245 = arith.constant 0.000000e+00 : f32
      %broadcast_in_dim3A_246 = vector.broadcast %broadcast_in_dim3A_245 : f32 to vector<16xf32>
      %broadcast_in_dim3A_247 = arith.constant 0.000000e+00 : f32
      %broadcast_in_dim3A_248 = vector.broadcast %broadcast_in_dim3A_247 : f32 to vector<16xf32>
      %broadcast_in_dim3A_249 = arith.constant 0.000000e+00 : f32
      %broadcast_in_dim3A_250 = vector.broadcast %broadcast_in_dim3A_249 : f32 to vector<16xf32>
      %broadcast_in_dim3A_251 = arith.constant 0.000000e+00 : f32
      %broadcast_in_dim3A_252 = vector.broadcast %broadcast_in_dim3A_251 : f32 to vector<16xf32>
      %broadcast_in_dim3A_253 = arith.constant 0.000000e+00 : f32
      %broadcast_in_dim3A_254 = vector.broadcast %broadcast_in_dim3A_253 : f32 to vector<16xf32>
      %parallel_loop3A_255 = arith.constant 0 : i32
      %parallel_loop3A_256 = arith.constant 100 : i32
      %parallel_loop3A_257 = arith.constant 1 : i32
      %parallel_loop3A_258:8 = scf.for %parallel_loop3A_593 = %parallel_loop3A_255 to %parallel_loop3A_256 step %parallel_loop3A_257 iter_args(%parallel_loop3A_594 = %broadcast_in_dim3A_240, %parallel_loop3A_595 = %broadcast_in_dim3A_242, %parallel_loop3A_596 = %broadcast_in_dim3A_244, %parallel_loop3A_597 = %broadcast_in_dim3A_246, %parallel_loop3A_598 = %broadcast_in_dim3A_248, %parallel_loop3A_599 = %broadcast_in_dim3A_250, %parallel_loop3A_600 = %broadcast_in_dim3A_252, %parallel_loop3A_601 = %broadcast_in_dim3A_254) -> (vector<16xf32>, vector<16xf32>, vector<16xf32>, vector<16xf32>, vector<16xf32>, vector<16xf32>, vector<16xf32>, vector<16xf32>)  : i32 {
        %parallel_loop3A_602 = arith.constant 0 : i32
        %parallel_loop3A_603 = arith.addi %parallel_loop3A_593, %parallel_loop3A_602 : i32
        %parallel_loop3A_604 = arith.index_cast %parallel_loop3A_603 : i32 to index
        %parallel_loop3A_605 = arith.constant 0 : index
        %parallel_loop3A_606 = tpu.vector_load %arg7[%parallel_loop3A_604, %parallel_loop3A_605] {strides = array<i32>} : memref<200x128xf32, #tpu.memory_space<vmem>>, vector<1x16xf32>,
        %parallel_loop3A_607 = vector.shape_cast %parallel_loop3A_606 : vector<1x16xf32> to vector<16xf32>
        %parallel_loop3A_608 = arith.addf %parallel_loop3A_594, %parallel_loop3A_607 : vector<16xf32>
        %parallel_loop3A_609 = arith.constant 0 : i32
        %parallel_loop3A_610 = arith.addi %parallel_loop3A_593, %parallel_loop3A_609 : i32
        %parallel_loop3A_611 = arith.index_cast %parallel_loop3A_610 : i32 to index
        %parallel_loop3A_612 = arith.constant 16 : index
        %parallel_loop3A_613 = tpu.vector_load %arg7[%parallel_loop3A_611, %parallel_loop3A_612] {strides = array<i32>} : memref<200x128xf32, #tpu.memory_space<vmem>>, vector<1x16xf32>,
        %parallel_loop3A_614 = vector.shape_cast %parallel_loop3A_613 : vector<1x16xf32> to vector<16xf32>
        %parallel_loop3A_615 = arith.addf %parallel_loop3A_595, %parallel_loop3A_614 : vector<16xf32>
        %parallel_loop3A_616 = arith.constant 0 : i32
        %parallel_loop3A_617 = arith.addi %parallel_loop3A_593, %parallel_loop3A_616 : i32
        %parallel_loop3A_618 = arith.index_cast %parallel_loop3A_617 : i32 to index
        %parallel_loop3A_619 = arith.constant 32 : index
        %parallel_loop3A_620 = tpu.vector_load %arg7[%parallel_loop3A_618, %parallel_loop3A_619] {strides = array<i32>} : memref<200x128xf32, #tpu.memory_space<vmem>>, vector<1x16xf32>,
        %parallel_loop3A_621 = vector.shape_cast %parallel_loop3A_620 : vector<1x16xf32> to vector<16xf32>
        %parallel_loop3A_622 = arith.addf %parallel_loop3A_596, %parallel_loop3A_621 : vector<16xf32>
        %parallel_loop3A_623 = arith.constant 0 : i32
        %parallel_loop3A_624 = arith.addi %parallel_loop3A_593, %parallel_loop3A_623 : i32
        %parallel_loop3A_625 = arith.index_cast %parallel_loop3A_624 : i32 to index
        %parallel_loop3A_626 = arith.constant 48 : index
        %parallel_loop3A_627 = tpu.vector_load %arg7[%parallel_loop3A_625, %parallel_loop3A_626] {strides = array<i32>} : memref<200x128xf32, #tpu.memory_space<vmem>>, vector<1x16xf32>,
        %parallel_loop3A_628 = vector.shape_cast %parallel_loop3A_627 : vector<1x16xf32> to vector<16xf32>
        %parallel_loop3A_629 = arith.addf %parallel_loop3A_597, %parallel_loop3A_628 : vector<16xf32>
        %parallel_loop3A_630 = arith.constant 0 : i32
        %parallel_loop3A_631 = arith.addi %parallel_loop3A_593, %parallel_loop3A_630 : i32
        %parallel_loop3A_632 = arith.index_cast %parallel_loop3A_631 : i32 to index
        %parallel_loop3A_633 = arith.constant 64 : index
        %parallel_loop3A_634 = tpu.vector_load %arg7[%parallel_loop3A_632, %parallel_loop3A_633] {strides = array<i32>} : memref<200x128xf32, #tpu.memory_space<vmem>>, vector<1x16xf32>,
        %parallel_loop3A_635 = vector.shape_cast %parallel_loop3A_634 : vector<1x16xf32> to vector<16xf32>
        %parallel_loop3A_636 = arith.addf %parallel_loop3A_598, %parallel_loop3A_635 : vector<16xf32>
        %parallel_loop3A_637 = arith.constant 0 : i32
        %parallel_loop3A_638 = arith.addi %parallel_loop3A_593, %parallel_loop3A_637 : i32
        %parallel_loop3A_639 = arith.index_cast %parallel_loop3A_638 : i32 to index
        %parallel_loop3A_640 = arith.constant 80 : index
        %parallel_loop3A_641 = tpu.vector_load %arg7[%parallel_loop3A_639, %parallel_loop3A_640] {strides = array<i32>} : memref<200x128xf32, #tpu.memory_space<vmem>>, vector<1x16xf32>,
        %parallel_loop3A_642 = vector.shape_cast %parallel_loop3A_641 : vector<1x16xf32> to vector<16xf32>
        %parallel_loop3A_643 = arith.addf %parallel_loop3A_599, %parallel_loop3A_642 : vector<16xf32>
        %parallel_loop3A_644 = arith.constant 0 : i32
        %parallel_loop3A_645 = arith.addi %parallel_loop3A_593, %parallel_loop3A_644 : i32
        %parallel_loop3A_646 = arith.index_cast %parallel_loop3A_645 : i32 to index
        %parallel_loop3A_647 = arith.constant 96 : index
        %parallel_loop3A_648 = tpu.vector_load %arg7[%parallel_loop3A_646, %parallel_loop3A_647] {strides = array<i32>} : memref<200x128xf32, #tpu.memory_space<vmem>>, vector<1x16xf32>,
        %parallel_loop3A_649 = vector.shape_cast %parallel_loop3A_648 : vector<1x16xf32> to vector<16xf32>
        %parallel_loop3A_650 = arith.addf %parallel_loop3A_600, %parallel_loop3A_649 : vector<16xf32>
        %parallel_loop3A_651 = arith.constant 0 : i32
        %parallel_loop3A_652 = arith.addi %parallel_loop3A_593, %parallel_loop3A_651 : i32
        %parallel_loop3A_653 = arith.index_cast %parallel_loop3A_652 : i32 to index
        %parallel_loop3A_654 = arith.constant 112 : index
        %parallel_loop3A_655 = tpu.vector_load %arg7[%parallel_loop3A_653, %parallel_loop3A_654] {strides = array<i32>} : memref<200x128xf32, #tpu.memory_space<vmem>>, vector<1x16xf32>,
        %parallel_loop3A_656 = vector.shape_cast %parallel_loop3A_655 : vector<1x16xf32> to vector<16xf32>
        %parallel_loop3A_657 = arith.addf %parallel_loop3A_601, %parallel_loop3A_656 : vector<16xf32>
        %parallel_loop3A_658 = arith.constant 100 : i32
        %parallel_loop3A_659 = arith.addi %parallel_loop3A_593, %parallel_loop3A_658 : i32
        %parallel_loop3A_660 = arith.index_cast %parallel_loop3A_659 : i32 to index
        %parallel_loop3A_661 = arith.constant 0 : index
        %parallel_loop3A_662 = tpu.vector_load %arg7[%parallel_loop3A_660, %parallel_loop3A_661] {strides = array<i32>} : memref<200x128xf32, #tpu.memory_space<vmem>>, vector<1x16xf32>,
        %parallel_loop3A_663 = vector.shape_cast %parallel_loop3A_662 : vector<1x16xf32> to vector<16xf32>
        %parallel_loop3A_664 = arith.addf %parallel_loop3A_608, %parallel_loop3A_663 : vector<16xf32>
        %parallel_loop3A_665 = arith.constant 100 : i32
        %parallel_loop3A_666 = arith.addi %parallel_loop3A_593, %parallel_loop3A_665 : i32
        %parallel_loop3A_667 = arith.index_cast %parallel_loop3A_666 : i32 to index
        %parallel_loop3A_668 = arith.constant 16 : index
        %parallel_loop3A_669 = tpu.vector_load %arg7[%parallel_loop3A_667, %parallel_loop3A_668] {strides = array<i32>} : memref<200x128xf32, #tpu.memory_space<vmem>>, vector<1x16xf32>,
        %parallel_loop3A_670 = vector.shape_cast %parallel_loop3A_669 : vector<1x16xf32> to vector<16xf32>
        %parallel_loop3A_671 = arith.addf %parallel_loop3A_615, %parallel_loop3A_670 : vector<16xf32>
        %parallel_loop3A_672 = arith.constant 100 : i32
        %parallel_loop3A_673 = arith.addi %parallel_loop3A_593, %parallel_loop3A_672 : i32
        %parallel_loop3A_674 = arith.index_cast %parallel_loop3A_673 : i32 to index
        %parallel_loop3A_675 = arith.constant 32 : index
        %parallel_loop3A_676 = tpu.vector_load %arg7[%parallel_loop3A_674, %parallel_loop3A_675] {strides = array<i32>} : memref<200x128xf32, #tpu.memory_space<vmem>>, vector<1x16xf32>,
        %parallel_loop3A_677 = vector.shape_cast %parallel_loop3A_676 : vector<1x16xf32> to vector<16xf32>
        %parallel_loop3A_678 = arith.addf %parallel_loop3A_622, %parallel_loop3A_677 : vector<16xf32>
        %parallel_loop3A_679 = arith.constant 100 : i32
        %parallel_loop3A_680 = arith.addi %parallel_loop3A_593, %parallel_loop3A_679 : i32
        %parallel_loop3A_681 = arith.index_cast %parallel_loop3A_680 : i32 to index
        %parallel_loop3A_682 = arith.constant 48 : index
        %parallel_loop3A_683 = tpu.vector_load %arg7[%parallel_loop3A_681, %parallel_loop3A_682] {strides = array<i32>} : memref<200x128xf32, #tpu.memory_space<vmem>>, vector<1x16xf32>,
        %parallel_loop3A_684 = vector.shape_cast %parallel_loop3A_683 : vector<1x16xf32> to vector<16xf32>
        %parallel_loop3A_685 = arith.addf %parallel_loop3A_629, %parallel_loop3A_684 : vector<16xf32>
        %parallel_loop3A_686 = arith.constant 100 : i32
        %parallel_loop3A_687 = arith.addi %parallel_loop3A_593, %parallel_loop3A_686 : i32
        %parallel_loop3A_688 = arith.index_cast %parallel_loop3A_687 : i32 to index
        %parallel_loop3A_689 = arith.constant 64 : index
        %parallel_loop3A_690 = tpu.vector_load %arg7[%parallel_loop3A_688, %parallel_loop3A_689] {strides = array<i32>} : memref<200x128xf32, #tpu.memory_space<vmem>>, vector<1x16xf32>,
        %parallel_loop3A_691 = vector.shape_cast %parallel_loop3A_690 : vector<1x16xf32> to vector<16xf32>
        %parallel_loop3A_692 = arith.addf %parallel_loop3A_636, %parallel_loop3A_691 : vector<16xf32>
        %parallel_loop3A_693 = arith.constant 100 : i32
        %parallel_loop3A_694 = arith.addi %parallel_loop3A_593, %parallel_loop3A_693 : i32
        %parallel_loop3A_695 = arith.index_cast %parallel_loop3A_694 : i32 to index
        %parallel_loop3A_696 = arith.constant 80 : index
        %parallel_loop3A_697 = tpu.vector_load %arg7[%parallel_loop3A_695, %parallel_loop3A_696] {strides = array<i32>} : memref<200x128xf32, #tpu.memory_space<vmem>>, vector<1x16xf32>,
        %parallel_loop3A_698 = vector.shape_cast %parallel_loop3A_697 : vector<1x16xf32> to vector<16xf32>
        %parallel_loop3A_699 = arith.addf %parallel_loop3A_643, %parallel_loop3A_698 : vector<16xf32>
        %parallel_loop3A_700 = arith.constant 100 : i32
        %parallel_loop3A_701 = arith.addi %parallel_loop3A_593, %parallel_loop3A_700 : i32
        %parallel_loop3A_702 = arith.index_cast %parallel_loop3A_701 : i32 to index
        %parallel_loop3A_703 = arith.constant 96 : index
        %parallel_loop3A_704 = tpu.vector_load %arg7[%parallel_loop3A_702, %parallel_loop3A_703] {strides = array<i32>} : memref<200x128xf32, #tpu.memory_space<vmem>>, vector<1x16xf32>,
        %parallel_loop3A_705 = vector.shape_cast %parallel_loop3A_704 : vector<1x16xf32> to vector<16xf32>
        %parallel_loop3A_706 = arith.addf %parallel_loop3A_650, %parallel_loop3A_705 : vector<16xf32>
        %parallel_loop3A_707 = arith.constant 100 : i32
        %parallel_loop3A_708 = arith.addi %parallel_loop3A_593, %parallel_loop3A_707 : i32
        %parallel_loop3A_709 = arith.index_cast %parallel_loop3A_708 : i32 to index
        %parallel_loop3A_710 = arith.constant 112 : index
        %parallel_loop3A_711 = tpu.vector_load %arg7[%parallel_loop3A_709, %parallel_loop3A_710] {strides = array<i32>} : memref<200x128xf32, #tpu.memory_space<vmem>>, vector<1x16xf32>,
        %parallel_loop3A_712 = vector.shape_cast %parallel_loop3A_711 : vector<1x16xf32> to vector<16xf32>
        %parallel_loop3A_713 = arith.addf %parallel_loop3A_657, %parallel_loop3A_712 : vector<16xf32>
        scf.yield %parallel_loop3A_664, %parallel_loop3A_671, %parallel_loop3A_678, %parallel_loop3A_685, %parallel_loop3A_692, %parallel_loop3A_699, %parallel_loop3A_706, %parallel_loop3A_713 : vector<16xf32>, vector<16xf32>, vector<16xf32>, vector<16xf32>, vector<16xf32>, vector<16xf32>, vector<16xf32>, vector<16xf32>
      } {sc.loop_unroll_factor = 2 : i64, sc.parallel_access}
      %rem3A_259 = arith.constant 8 : i32
      %rem3A_260 = arith.remsi %add3A_222, %rem3A_259 : i32
      %eq3A_261 = arith.constant 0 : i32
      %eq3A_262 = arith.cmpi eq, %rem3A_260, %eq3A_261 : i32
      %ge3A_263 = arith.constant 8 : i32
      %ge3A_264 = arith.cmpi sge, %add3A_222, %ge3A_263 : i32
      %and3A_265 = arith.andi %eq3A_262, %ge3A_264 : i1
      %convert_element_type3A_266 = arith.extui %and3A_265 : i1 to i32
      %cond3A_267 = arith.constant 0 : i32
      %cond3A_268 = arith.cmpi ne, %convert_element_type3A_266, %cond3A_267 : i32
      scf.if %cond3A_268 {
        %dma_wait3A_593 = arith.constant 0 : i32
        %dma_wait3A_594 = arith.constant 0 : i32
        %dma_wait3A_595 = tpu.memref_slice %arg4[%dma_wait3A_593, %dma_wait3A_594] : memref<4096x128xf32, #tpu.memory_space<hbm>> -> memref<8x128xf32, #tpu.memory_space<hbm>>
        %dma_wait3A_596 = arith.constant 0 : i32
        %dma_wait3A_597 = arith.constant 0 : i32
        %dma_wait3A_598 = tpu.memref_slice %arg4[%dma_wait3A_596, %dma_wait3A_597] : memref<4096x128xf32, #tpu.memory_space<hbm>> -> memref<8x128xf32, #tpu.memory_space<hbm>>
        tpu.wait_dma2 semaphore(%arg15 : memref<!tpu.dma_semaphore, #tpu.memory_space<semaphore_mem>>) src(%dma_wait3A_598 : memref<8x128xf32, #tpu.memory_space<hbm>>) dst(%arg10 : memref<8x128xf32, #tpu.memory_space<vmem>>)
      } else {
      }
      %mul3A_269 = arith.constant 5.000000e-03 : f32
      %mul3A_270 = vector.broadcast %mul3A_269 : f32 to vector<16xf32>
      %mul3A_271 = arith.mulf %parallel_loop3A_258#0, %mul3A_270 : vector<16xf32>
      %swap3A_272 = arith.index_cast %rem3A_260 : i32 to index
      %swap3A_273 = arith.constant 0 : index
      %swap3A_274 = tpu.vector_load %arg10[%swap3A_272, %swap3A_273] {strides = array<i32>} : memref<8x128xf32, #tpu.memory_space<vmem>>, vector<1x16xf32>,
      %swap3A_275 = vector.shape_cast %swap3A_274 : vector<1x16xf32> to vector<16xf32>
      %swap3A_276 = vector.shape_cast %mul3A_271 : vector<16xf32> to vector<1x16xf32>
      tpu.vector_store %arg10[%swap3A_272, %swap3A_273], %swap3A_276 {strides = array<i32>} : memref<8x128xf32, #tpu.memory_space<vmem>>, vector<1x16xf32>,
      %mul3A_277 = arith.constant 5.000000e-03 : f32
      %mul3A_278 = vector.broadcast %mul3A_277 : f32 to vector<16xf32>
      %mul3A_279 = arith.mulf %parallel_loop3A_258#1, %mul3A_278 : vector<16xf32>
      %swap3A_280 = arith.index_cast %rem3A_260 : i32 to index
      %swap3A_281 = arith.constant 16 : index
      %swap3A_282 = tpu.vector_load %arg10[%swap3A_280, %swap3A_281] {strides = array<i32>} : memref<8x128xf32, #tpu.memory_space<vmem>>, vector<1x16xf32>,
      %swap3A_283 = vector.shape_cast %swap3A_282 : vector<1x16xf32> to vector<16xf32>
      %swap3A_284 = vector.shape_cast %mul3A_279 : vector<16xf32> to vector<1x16xf32>
      tpu.vector_store %arg10[%swap3A_280, %swap3A_281], %swap3A_284 {strides = array<i32>} : memref<8x128xf32, #tpu.memory_space<vmem>>, vector<1x16xf32>,
      %mul3A_285 = arith.constant 5.000000e-03 : f32
      %mul3A_286 = vector.broadcast %mul3A_285 : f32 to vector<16xf32>
      %mul3A_287 = arith.mulf %parallel_loop3A_258#2, %mul3A_286 : vector<16xf32>
      %swap3A_288 = arith.index_cast %rem3A_260 : i32 to index
      %swap3A_289 = arith.constant 32 : index
      %swap3A_290 = tpu.vector_load %arg10[%swap3A_288, %swap3A_289] {strides = array<i32>} : memref<8x128xf32, #tpu.memory_space<vmem>>, vector<1x16xf32>,
      %swap3A_291 = vector.shape_cast %swap3A_290 : vector<1x16xf32> to vector<16xf32>
      %swap3A_292 = vector.shape_cast %mul3A_287 : vector<16xf32> to vector<1x16xf32>
      tpu.vector_store %arg10[%swap3A_288, %swap3A_289], %swap3A_292 {strides = array<i32>} : memref<8x128xf32, #tpu.memory_space<vmem>>, vector<1x16xf32>,
      %mul3A_293 = arith.constant 5.000000e-03 : f32
      %mul3A_294 = vector.broadcast %mul3A_293 : f32 to vector<16xf32>
      %mul3A_295 = arith.mulf %parallel_loop3A_258#3, %mul3A_294 : vector<16xf32>
      %swap3A_296 = arith.index_cast %rem3A_260 : i32 to index
      %swap3A_297 = arith.constant 48 : index
      %swap3A_298 = tpu.vector_load %arg10[%swap3A_296, %swap3A_297] {strides = array<i32>} : memref<8x128xf32, #tpu.memory_space<vmem>>, vector<1x16xf32>,
      %swap3A_299 = vector.shape_cast %swap3A_298 : vector<1x16xf32> to vector<16xf32>
      %swap3A_300 = vector.shape_cast %mul3A_295 : vector<16xf32> to vector<1x16xf32>
      tpu.vector_store %arg10[%swap3A_296, %swap3A_297], %swap3A_300 {strides = array<i32>} : memref<8x128xf32, #tpu.memory_space<vmem>>, vector<1x16xf32>,
      %mul3A_301 = arith.constant 5.000000e-03 : f32
      %mul3A_302 = vector.broadcast %mul3A_301 : f32 to vector<16xf32>
      %mul3A_303 = arith.mulf %parallel_loop3A_258#4, %mul3A_302 : vector<16xf32>
      %swap3A_304 = arith.index_cast %rem3A_260 : i32 to index
      %swap3A_305 = arith.constant 64 : index
      %swap3A_306 = tpu.vector_load %arg10[%swap3A_304, %swap3A_305] {strides = array<i32>} : memref<8x128xf32, #tpu.memory_space<vmem>>, vector<1x16xf32>,
      %swap3A_307 = vector.shape_cast %swap3A_306 : vector<1x16xf32> to vector<16xf32>
      %swap3A_308 = vector.shape_cast %mul3A_303 : vector<16xf32> to vector<1x16xf32>
      tpu.vector_store %arg10[%swap3A_304, %swap3A_305], %swap3A_308 {strides = array<i32>} : memref<8x128xf32, #tpu.memory_space<vmem>>, vector<1x16xf32>,
      %mul3A_309 = arith.constant 5.000000e-03 : f32
      %mul3A_310 = vector.broadcast %mul3A_309 : f32 to vector<16xf32>
      %mul3A_311 = arith.mulf %parallel_loop3A_258#5, %mul3A_310 : vector<16xf32>
      %swap3A_312 = arith.index_cast %rem3A_260 : i32 to index
      %swap3A_313 = arith.constant 80 : index
      %swap3A_314 = tpu.vector_load %arg10[%swap3A_312, %swap3A_313] {strides = array<i32>} : memref<8x128xf32, #tpu.memory_space<vmem>>, vector<1x16xf32>,
      %swap3A_315 = vector.shape_cast %swap3A_314 : vector<1x16xf32> to vector<16xf32>
      %swap3A_316 = vector.shape_cast %mul3A_311 : vector<16xf32> to vector<1x16xf32>
      tpu.vector_store %arg10[%swap3A_312, %swap3A_313], %swap3A_316 {strides = array<i32>} : memref<8x128xf32, #tpu.memory_space<vmem>>, vector<1x16xf32>,
      %mul3A_317 = arith.constant 5.000000e-03 : f32
      %mul3A_318 = vector.broadcast %mul3A_317 : f32 to vector<16xf32>
      %mul3A_319 = arith.mulf %parallel_loop3A_258#6, %mul3A_318 : vector<16xf32>
      %swap3A_320 = arith.index_cast %rem3A_260 : i32 to index
      %swap3A_321 = arith.constant 96 : index
      %swap3A_322 = tpu.vector_load %arg10[%swap3A_320, %swap3A_321] {strides = array<i32>} : memref<8x128xf32, #tpu.memory_space<vmem>>, vector<1x16xf32>,
      %swap3A_323 = vector.shape_cast %swap3A_322 : vector<1x16xf32> to vector<16xf32>
      %swap3A_324 = vector.shape_cast %mul3A_319 : vector<16xf32> to vector<1x16xf32>
      tpu.vector_store %arg10[%swap3A_320, %swap3A_321], %swap3A_324 {strides = array<i32>} : memref<8x128xf32, #tpu.memory_space<vmem>>, vector<1x16xf32>,
      %mul3A_325 = arith.constant 5.000000e-03 : f32
      %mul3A_326 = vector.broadcast %mul3A_325 : f32 to vector<16xf32>
      %mul3A_327 = arith.mulf %parallel_loop3A_258#7, %mul3A_326 : vector<16xf32>
      %swap3A_328 = arith.index_cast %rem3A_260 : i32 to index
      %swap3A_329 = arith.constant 112 : index
      %swap3A_330 = tpu.vector_load %arg10[%swap3A_328, %swap3A_329] {strides = array<i32>} : memref<8x128xf32, #tpu.memory_space<vmem>>, vector<1x16xf32>,
      %swap3A_331 = vector.shape_cast %swap3A_330 : vector<1x16xf32> to vector<16xf32>
      %swap3A_332 = vector.shape_cast %mul3A_327 : vector<16xf32> to vector<1x16xf32>
      tpu.vector_store %arg10[%swap3A_328, %swap3A_329], %swap3A_332 {strides = array<i32>} : memref<8x128xf32, #tpu.memory_space<vmem>>, vector<1x16xf32>,
      %eq3A_333 = arith.constant 7 : i32
      %eq3A_334 = arith.cmpi eq, %rem3A_260, %eq3A_333 : i32
      %convert_element_type3A_335 = arith.extui %eq3A_334 : i1 to i32
      %cond3A_336 = arith.constant 0 : i32
      %cond3A_337 = arith.cmpi ne, %convert_element_type3A_335, %cond3A_336 : i32
      scf.if %cond3A_337 {
        %add3A_593 = arith.addi %multiple_of3A, %add3A_222 : i32
        %sub3A = arith.constant 7 : i32
        %sub3A_594 = arith.subi %add3A_593, %sub3A : i32
        %multiple_of3A_595 = tpu.assume_multiple %sub3A_594, 8 : i32
        %dma_start3A_596 = arith.constant 0 : i32
        %dma_start3A_597 = tpu.memref_slice %arg4[%multiple_of3A_595, %dma_start3A_596] : memref<4096x128xf32, #tpu.memory_space<hbm>> -> memref<8x128xf32, #tpu.memory_space<hbm>>
        %dma_start3A_598 = arith.constant 0 : i32
        %dma_start3A_599 = tpu.memref_slice %arg4[%multiple_of3A_595, %dma_start3A_598] : memref<4096x128xf32, #tpu.memory_space<hbm>> -> memref<8x128xf32, #tpu.memory_space<hbm>>
        tpu.enqueue_dma source(%arg10 : memref<8x128xf32, #tpu.memory_space<vmem>>) target(%dma_start3A_599 : memref<8x128xf32, #tpu.memory_space<hbm>>) target_semaphore(%arg15 : memref<!tpu.dma_semaphore, #tpu.memory_space<semaphore_mem>>)
      } else {
      }
      %add3A_338 = arith.constant 4 : i32
      %add3A_339 = arith.addi %add3A_222, %add3A_338 : i32
      %lt3A_340 = arith.constant 128 : i32
      %lt3A_341 = arith.cmpi slt, %add3A_339, %lt3A_340 : i32
      %convert_element_type3A_342 = arith.extui %lt3A_341 : i1 to i32
      %cond3A_343 = arith.constant 0 : i32
      %cond3A_344 = arith.cmpi ne, %convert_element_type3A_342, %cond3A_343 : i32
      scf.if %cond3A_344 {
        %add3A_593 = arith.constant 4 : i32
        %add3A_594 = arith.addi %add3A_222, %add3A_593 : i32
        %mul3A_595 = arith.constant 200 : i32
        %mul3A_596 = arith.muli %add3A_594, %mul3A_595 : i32
        %add3A_597 = arith.constant 0 : i32
        %add3A_598 = arith.addi %mul3A_596, %add3A_597 : i32
        %multiple_of3A_599 = tpu.assume_multiple %add3A_598, 8 : i32
        %dma_start3A_600 = arith.constant 0 : i32
        %dma_start3A_601 = arith.constant 0 : i32
        %dma_start3A_602 = tpu.memref_slice %arg7[%dma_start3A_600, %dma_start3A_601] : memref<200x128xf32, #tpu.memory_space<vmem>> -> memref<96x128xf32, #tpu.memory_space<vmem>>
        %dma_start3A_603 = tpu.memref_slice %arg5[%multiple_of3A_599] : memref<25600xi32, #tpu.memory_space<vmem>> -> memref<96xi32, #tpu.memory_space<vmem>>
        %dma_start3A_604 = arith.constant 0 : i32
        %dma_start3A_605 = arith.constant 0 : i32
        %dma_start3A_606 = tpu.memref_slice %arg3[%dma_start3A_604, %dma_start3A_605] : memref<100000x128xf32, #tpu.memory_space<hbm>> -> memref<100000x128xf32, #tpu.memory_space<hbm>>
        tpu.enqueue_indirect_dma source(%dma_start3A_606 : memref<100000x128xf32, #tpu.memory_space<hbm>>) target(%dma_start3A_602 : memref<96x128xf32, #tpu.memory_space<vmem>>) offsets(%dma_start3A_603 : memref<96xi32, #tpu.memory_space<vmem>>) semaphore(%arg12 : memref<!tpu.dma_semaphore, #tpu.memory_space<semaphore_mem>>)
        %mul3A_607 = arith.constant 200 : i32
        %mul3A_608 = arith.muli %add3A_594, %mul3A_607 : i32
        %add3A_609 = arith.constant 96 : i32
        %add3A_610 = arith.addi %mul3A_608, %add3A_609 : i32
        %multiple_of3A_611 = tpu.assume_multiple %add3A_610, 8 : i32
        %dma_start3A_612 = arith.constant 96 : i32
        %dma_start3A_613 = arith.constant 0 : i32
        %dma_start3A_614 = tpu.memref_slice %arg7[%dma_start3A_612, %dma_start3A_613] : memref<200x128xf32, #tpu.memory_space<vmem>> -> memref<104x128xf32, #tpu.memory_space<vmem>>
        %dma_start3A_615 = tpu.memref_slice %arg5[%multiple_of3A_611] : memref<25600xi32, #tpu.memory_space<vmem>> -> memref<104xi32, #tpu.memory_space<vmem>>
        %dma_start3A_616 = arith.constant 0 : i32
        %dma_start3A_617 = arith.constant 0 : i32
        %dma_start3A_618 = tpu.memref_slice %arg3[%dma_start3A_616, %dma_start3A_617] : memref<100000x128xf32, #tpu.memory_space<hbm>> -> memref<100000x128xf32, #tpu.memory_space<hbm>>
        tpu.enqueue_indirect_dma source(%dma_start3A_618 : memref<100000x128xf32, #tpu.memory_space<hbm>>) target(%dma_start3A_614 : memref<104x128xf32, #tpu.memory_space<vmem>>) offsets(%dma_start3A_615 : memref<104xi32, #tpu.memory_space<vmem>>) semaphore(%arg12 : memref<!tpu.dma_semaphore, #tpu.memory_space<semaphore_mem>>)
      } else {
      }
      %add3A_345 = arith.constant 2 : i32
      %add3A_346 = arith.addi %mul3A_106, %add3A_345 : i32
      %dma_wait3A_347 = arith.constant 0 : i32
      %dma_wait3A_348 = arith.constant 0 : i32
      %dma_wait3A_349 = tpu.memref_slice %arg8[%dma_wait3A_347, %dma_wait3A_348] : memref<200x128xf32, #tpu.memory_space<vmem>> -> memref<96x128xf32, #tpu.memory_space<vmem>>
      %dma_wait3A_350 = arith.constant 0 : i32
      %dma_wait3A_351 = tpu.memref_slice %arg5[%dma_wait3A_350] : memref<25600xi32, #tpu.memory_space<vmem>> -> memref<96xi32, #tpu.memory_space<vmem>>
      %dma_wait3A_352 = arith.constant 0 : i32
      %dma_wait3A_353 = arith.constant 0 : i32
      %dma_wait3A_354 = tpu.memref_slice %arg3[%dma_wait3A_352, %dma_wait3A_353] : memref<100000x128xf32, #tpu.memory_space<hbm>> -> memref<100000x128xf32, #tpu.memory_space<hbm>>
      tpu.wait_indirect_dma semaphore(%arg13 : memref<!tpu.dma_semaphore, #tpu.memory_space<semaphore_mem>>) src(%dma_wait3A_354 : memref<100000x128xf32, #tpu.memory_space<hbm>>) dst(%dma_wait3A_349 : memref<96x128xf32, #tpu.memory_space<vmem>>)
      %dma_wait3A_355 = arith.constant 96 : i32
      %dma_wait3A_356 = arith.constant 0 : i32
      %dma_wait3A_357 = tpu.memref_slice %arg8[%dma_wait3A_355, %dma_wait3A_356] : memref<200x128xf32, #tpu.memory_space<vmem>> -> memref<104x128xf32, #tpu.memory_space<vmem>>
      %dma_wait3A_358 = arith.constant 0 : i32
      %dma_wait3A_359 = tpu.memref_slice %arg5[%dma_wait3A_358] : memref<25600xi32, #tpu.memory_space<vmem>> -> memref<104xi32, #tpu.memory_space<vmem>>
      %dma_wait3A_360 = arith.constant 0 : i32
      %dma_wait3A_361 = arith.constant 0 : i32
      %dma_wait3A_362 = tpu.memref_slice %arg3[%dma_wait3A_360, %dma_wait3A_361] : memref<100000x128xf32, #tpu.memory_space<hbm>> -> memref<100000x128xf32, #tpu.memory_space<hbm>>
      tpu.wait_indirect_dma semaphore(%arg13 : memref<!tpu.dma_semaphore, #tpu.memory_space<semaphore_mem>>) src(%dma_wait3A_362 : memref<100000x128xf32, #tpu.memory_space<hbm>>) dst(%dma_wait3A_357 : memref<104x128xf32, #tpu.memory_space<vmem>>)
      %broadcast_in_dim3A_363 = arith.constant 0.000000e+00 : f32
      %broadcast_in_dim3A_364 = vector.broadcast %broadcast_in_dim3A_363 : f32 to vector<16xf32>
      %broadcast_in_dim3A_365 = arith.constant 0.000000e+00 : f32
      %broadcast_in_dim3A_366 = vector.broadcast %broadcast_in_dim3A_365 : f32 to vector<16xf32>
      %broadcast_in_dim3A_367 = arith.constant 0.000000e+00 : f32
      %broadcast_in_dim3A_368 = vector.broadcast %broadcast_in_dim3A_367 : f32 to vector<16xf32>
      %broadcast_in_dim3A_369 = arith.constant 0.000000e+00 : f32
      %broadcast_in_dim3A_370 = vector.broadcast %broadcast_in_dim3A_369 : f32 to vector<16xf32>
      %broadcast_in_dim3A_371 = arith.constant 0.000000e+00 : f32
      %broadcast_in_dim3A_372 = vector.broadcast %broadcast_in_dim3A_371 : f32 to vector<16xf32>
      %broadcast_in_dim3A_373 = arith.constant 0.000000e+00 : f32
      %broadcast_in_dim3A_374 = vector.broadcast %broadcast_in_dim3A_373 : f32 to vector<16xf32>
      %broadcast_in_dim3A_375 = arith.constant 0.000000e+00 : f32
      %broadcast_in_dim3A_376 = vector.broadcast %broadcast_in_dim3A_375 : f32 to vector<16xf32>
      %broadcast_in_dim3A_377 = arith.constant 0.000000e+00 : f32
      %broadcast_in_dim3A_378 = vector.broadcast %broadcast_in_dim3A_377 : f32 to vector<16xf32>
      %parallel_loop3A_379 = arith.constant 0 : i32
      %parallel_loop3A_380 = arith.constant 100 : i32
      %parallel_loop3A_381 = arith.constant 1 : i32
      %parallel_loop3A_382:8 = scf.for %parallel_loop3A_593 = %parallel_loop3A_379 to %parallel_loop3A_380 step %parallel_loop3A_381 iter_args(%parallel_loop3A_594 = %broadcast_in_dim3A_364, %parallel_loop3A_595 = %broadcast_in_dim3A_366, %parallel_loop3A_596 = %broadcast_in_dim3A_368, %parallel_loop3A_597 = %broadcast_in_dim3A_370, %parallel_loop3A_598 = %broadcast_in_dim3A_372, %parallel_loop3A_599 = %broadcast_in_dim3A_374, %parallel_loop3A_600 = %broadcast_in_dim3A_376, %parallel_loop3A_601 = %broadcast_in_dim3A_378) -> (vector<16xf32>, vector<16xf32>, vector<16xf32>, vector<16xf32>, vector<16xf32>, vector<16xf32>, vector<16xf32>, vector<16xf32>)  : i32 {
        %parallel_loop3A_602 = arith.constant 0 : i32
        %parallel_loop3A_603 = arith.addi %parallel_loop3A_593, %parallel_loop3A_602 : i32
        %parallel_loop3A_604 = arith.index_cast %parallel_loop3A_603 : i32 to index
        %parallel_loop3A_605 = arith.constant 0 : index
        %parallel_loop3A_606 = tpu.vector_load %arg8[%parallel_loop3A_604, %parallel_loop3A_605] {strides = array<i32>} : memref<200x128xf32, #tpu.memory_space<vmem>>, vector<1x16xf32>,
        %parallel_loop3A_607 = vector.shape_cast %parallel_loop3A_606 : vector<1x16xf32> to vector<16xf32>
        %parallel_loop3A_608 = arith.addf %parallel_loop3A_594, %parallel_loop3A_607 : vector<16xf32>
        %parallel_loop3A_609 = arith.constant 0 : i32
        %parallel_loop3A_610 = arith.addi %parallel_loop3A_593, %parallel_loop3A_609 : i32
        %parallel_loop3A_611 = arith.index_cast %parallel_loop3A_610 : i32 to index
        %parallel_loop3A_612 = arith.constant 16 : index
        %parallel_loop3A_613 = tpu.vector_load %arg8[%parallel_loop3A_611, %parallel_loop3A_612] {strides = array<i32>} : memref<200x128xf32, #tpu.memory_space<vmem>>, vector<1x16xf32>,
        %parallel_loop3A_614 = vector.shape_cast %parallel_loop3A_613 : vector<1x16xf32> to vector<16xf32>
        %parallel_loop3A_615 = arith.addf %parallel_loop3A_595, %parallel_loop3A_614 : vector<16xf32>
        %parallel_loop3A_616 = arith.constant 0 : i32
        %parallel_loop3A_617 = arith.addi %parallel_loop3A_593, %parallel_loop3A_616 : i32
        %parallel_loop3A_618 = arith.index_cast %parallel_loop3A_617 : i32 to index
        %parallel_loop3A_619 = arith.constant 32 : index
        %parallel_loop3A_620 = tpu.vector_load %arg8[%parallel_loop3A_618, %parallel_loop3A_619] {strides = array<i32>} : memref<200x128xf32, #tpu.memory_space<vmem>>, vector<1x16xf32>,
        %parallel_loop3A_621 = vector.shape_cast %parallel_loop3A_620 : vector<1x16xf32> to vector<16xf32>
        %parallel_loop3A_622 = arith.addf %parallel_loop3A_596, %parallel_loop3A_621 : vector<16xf32>
        %parallel_loop3A_623 = arith.constant 0 : i32
        %parallel_loop3A_624 = arith.addi %parallel_loop3A_593, %parallel_loop3A_623 : i32
        %parallel_loop3A_625 = arith.index_cast %parallel_loop3A_624 : i32 to index
        %parallel_loop3A_626 = arith.constant 48 : index
        %parallel_loop3A_627 = tpu.vector_load %arg8[%parallel_loop3A_625, %parallel_loop3A_626] {strides = array<i32>} : memref<200x128xf32, #tpu.memory_space<vmem>>, vector<1x16xf32>,
        %parallel_loop3A_628 = vector.shape_cast %parallel_loop3A_627 : vector<1x16xf32> to vector<16xf32>
        %parallel_loop3A_629 = arith.addf %parallel_loop3A_597, %parallel_loop3A_628 : vector<16xf32>
        %parallel_loop3A_630 = arith.constant 0 : i32
        %parallel_loop3A_631 = arith.addi %parallel_loop3A_593, %parallel_loop3A_630 : i32
        %parallel_loop3A_632 = arith.index_cast %parallel_loop3A_631 : i32 to index
        %parallel_loop3A_633 = arith.constant 64 : index
        %parallel_loop3A_634 = tpu.vector_load %arg8[%parallel_loop3A_632, %parallel_loop3A_633] {strides = array<i32>} : memref<200x128xf32, #tpu.memory_space<vmem>>, vector<1x16xf32>,
        %parallel_loop3A_635 = vector.shape_cast %parallel_loop3A_634 : vector<1x16xf32> to vector<16xf32>
        %parallel_loop3A_636 = arith.addf %parallel_loop3A_598, %parallel_loop3A_635 : vector<16xf32>
        %parallel_loop3A_637 = arith.constant 0 : i32
        %parallel_loop3A_638 = arith.addi %parallel_loop3A_593, %parallel_loop3A_637 : i32
        %parallel_loop3A_639 = arith.index_cast %parallel_loop3A_638 : i32 to index
        %parallel_loop3A_640 = arith.constant 80 : index
        %parallel_loop3A_641 = tpu.vector_load %arg8[%parallel_loop3A_639, %parallel_loop3A_640] {strides = array<i32>} : memref<200x128xf32, #tpu.memory_space<vmem>>, vector<1x16xf32>,
        %parallel_loop3A_642 = vector.shape_cast %parallel_loop3A_641 : vector<1x16xf32> to vector<16xf32>
        %parallel_loop3A_643 = arith.addf %parallel_loop3A_599, %parallel_loop3A_642 : vector<16xf32>
        %parallel_loop3A_644 = arith.constant 0 : i32
        %parallel_loop3A_645 = arith.addi %parallel_loop3A_593, %parallel_loop3A_644 : i32
        %parallel_loop3A_646 = arith.index_cast %parallel_loop3A_645 : i32 to index
        %parallel_loop3A_647 = arith.constant 96 : index
        %parallel_loop3A_648 = tpu.vector_load %arg8[%parallel_loop3A_646, %parallel_loop3A_647] {strides = array<i32>} : memref<200x128xf32, #tpu.memory_space<vmem>>, vector<1x16xf32>,
        %parallel_loop3A_649 = vector.shape_cast %parallel_loop3A_648 : vector<1x16xf32> to vector<16xf32>
        %parallel_loop3A_650 = arith.addf %parallel_loop3A_600, %parallel_loop3A_649 : vector<16xf32>
        %parallel_loop3A_651 = arith.constant 0 : i32
        %parallel_loop3A_652 = arith.addi %parallel_loop3A_593, %parallel_loop3A_651 : i32
        %parallel_loop3A_653 = arith.index_cast %parallel_loop3A_652 : i32 to index
        %parallel_loop3A_654 = arith.constant 112 : index
        %parallel_loop3A_655 = tpu.vector_load %arg8[%parallel_loop3A_653, %parallel_loop3A_654] {strides = array<i32>} : memref<200x128xf32, #tpu.memory_space<vmem>>, vector<1x16xf32>,
        %parallel_loop3A_656 = vector.shape_cast %parallel_loop3A_655 : vector<1x16xf32> to vector<16xf32>
        %parallel_loop3A_657 = arith.addf %parallel_loop3A_601, %parallel_loop3A_656 : vector<16xf32>
        %parallel_loop3A_658 = arith.constant 100 : i32
        %parallel_loop3A_659 = arith.addi %parallel_loop3A_593, %parallel_loop3A_658 : i32
        %parallel_loop3A_660 = arith.index_cast %parallel_loop3A_659 : i32 to index
        %parallel_loop3A_661 = arith.constant 0 : index
        %parallel_loop3A_662 = tpu.vector_load %arg8[%parallel_loop3A_660, %parallel_loop3A_661] {strides = array<i32>} : memref<200x128xf32, #tpu.memory_space<vmem>>, vector<1x16xf32>,
        %parallel_loop3A_663 = vector.shape_cast %parallel_loop3A_662 : vector<1x16xf32> to vector<16xf32>
        %parallel_loop3A_664 = arith.addf %parallel_loop3A_608, %parallel_loop3A_663 : vector<16xf32>
        %parallel_loop3A_665 = arith.constant 100 : i32
        %parallel_loop3A_666 = arith.addi %parallel_loop3A_593, %parallel_loop3A_665 : i32
        %parallel_loop3A_667 = arith.index_cast %parallel_loop3A_666 : i32 to index
        %parallel_loop3A_668 = arith.constant 16 : index
        %parallel_loop3A_669 = tpu.vector_load %arg8[%parallel_loop3A_667, %parallel_loop3A_668] {strides = array<i32>} : memref<200x128xf32, #tpu.memory_space<vmem>>, vector<1x16xf32>,
        %parallel_loop3A_670 = vector.shape_cast %parallel_loop3A_669 : vector<1x16xf32> to vector<16xf32>
        %parallel_loop3A_671 = arith.addf %parallel_loop3A_615, %parallel_loop3A_670 : vector<16xf32>
        %parallel_loop3A_672 = arith.constant 100 : i32
        %parallel_loop3A_673 = arith.addi %parallel_loop3A_593, %parallel_loop3A_672 : i32
        %parallel_loop3A_674 = arith.index_cast %parallel_loop3A_673 : i32 to index
        %parallel_loop3A_675 = arith.constant 32 : index
        %parallel_loop3A_676 = tpu.vector_load %arg8[%parallel_loop3A_674, %parallel_loop3A_675] {strides = array<i32>} : memref<200x128xf32, #tpu.memory_space<vmem>>, vector<1x16xf32>,
        %parallel_loop3A_677 = vector.shape_cast %parallel_loop3A_676 : vector<1x16xf32> to vector<16xf32>
        %parallel_loop3A_678 = arith.addf %parallel_loop3A_622, %parallel_loop3A_677 : vector<16xf32>
        %parallel_loop3A_679 = arith.constant 100 : i32
        %parallel_loop3A_680 = arith.addi %parallel_loop3A_593, %parallel_loop3A_679 : i32
        %parallel_loop3A_681 = arith.index_cast %parallel_loop3A_680 : i32 to index
        %parallel_loop3A_682 = arith.constant 48 : index
        %parallel_loop3A_683 = tpu.vector_load %arg8[%parallel_loop3A_681, %parallel_loop3A_682] {strides = array<i32>} : memref<200x128xf32, #tpu.memory_space<vmem>>, vector<1x16xf32>,
        %parallel_loop3A_684 = vector.shape_cast %parallel_loop3A_683 : vector<1x16xf32> to vector<16xf32>
        %parallel_loop3A_685 = arith.addf %parallel_loop3A_629, %parallel_loop3A_684 : vector<16xf32>
        %parallel_loop3A_686 = arith.constant 100 : i32
        %parallel_loop3A_687 = arith.addi %parallel_loop3A_593, %parallel_loop3A_686 : i32
        %parallel_loop3A_688 = arith.index_cast %parallel_loop3A_687 : i32 to index
        %parallel_loop3A_689 = arith.constant 64 : index
        %parallel_loop3A_690 = tpu.vector_load %arg8[%parallel_loop3A_688, %parallel_loop3A_689] {strides = array<i32>} : memref<200x128xf32, #tpu.memory_space<vmem>>, vector<1x16xf32>,
        %parallel_loop3A_691 = vector.shape_cast %parallel_loop3A_690 : vector<1x16xf32> to vector<16xf32>
        %parallel_loop3A_692 = arith.addf %parallel_loop3A_636, %parallel_loop3A_691 : vector<16xf32>
        %parallel_loop3A_693 = arith.constant 100 : i32
        %parallel_loop3A_694 = arith.addi %parallel_loop3A_593, %parallel_loop3A_693 : i32
        %parallel_loop3A_695 = arith.index_cast %parallel_loop3A_694 : i32 to index
        %parallel_loop3A_696 = arith.constant 80 : index
        %parallel_loop3A_697 = tpu.vector_load %arg8[%parallel_loop3A_695, %parallel_loop3A_696] {strides = array<i32>} : memref<200x128xf32, #tpu.memory_space<vmem>>, vector<1x16xf32>,
        %parallel_loop3A_698 = vector.shape_cast %parallel_loop3A_697 : vector<1x16xf32> to vector<16xf32>
        %parallel_loop3A_699 = arith.addf %parallel_loop3A_643, %parallel_loop3A_698 : vector<16xf32>
        %parallel_loop3A_700 = arith.constant 100 : i32
        %parallel_loop3A_701 = arith.addi %parallel_loop3A_593, %parallel_loop3A_700 : i32
        %parallel_loop3A_702 = arith.index_cast %parallel_loop3A_701 : i32 to index
        %parallel_loop3A_703 = arith.constant 96 : index
        %parallel_loop3A_704 = tpu.vector_load %arg8[%parallel_loop3A_702, %parallel_loop3A_703] {strides = array<i32>} : memref<200x128xf32, #tpu.memory_space<vmem>>, vector<1x16xf32>,
        %parallel_loop3A_705 = vector.shape_cast %parallel_loop3A_704 : vector<1x16xf32> to vector<16xf32>
        %parallel_loop3A_706 = arith.addf %parallel_loop3A_650, %parallel_loop3A_705 : vector<16xf32>
        %parallel_loop3A_707 = arith.constant 100 : i32
        %parallel_loop3A_708 = arith.addi %parallel_loop3A_593, %parallel_loop3A_707 : i32
        %parallel_loop3A_709 = arith.index_cast %parallel_loop3A_708 : i32 to index
        %parallel_loop3A_710 = arith.constant 112 : index
        %parallel_loop3A_711 = tpu.vector_load %arg8[%parallel_loop3A_709, %parallel_loop3A_710] {strides = array<i32>} : memref<200x128xf32, #tpu.memory_space<vmem>>, vector<1x16xf32>,
        %parallel_loop3A_712 = vector.shape_cast %parallel_loop3A_711 : vector<1x16xf32> to vector<16xf32>
        %parallel_loop3A_713 = arith.addf %parallel_loop3A_657, %parallel_loop3A_712 : vector<16xf32>
        scf.yield %parallel_loop3A_664, %parallel_loop3A_671, %parallel_loop3A_678, %parallel_loop3A_685, %parallel_loop3A_692, %parallel_loop3A_699, %parallel_loop3A_706, %parallel_loop3A_713 : vector<16xf32>, vector<16xf32>, vector<16xf32>, vector<16xf32>, vector<16xf32>, vector<16xf32>, vector<16xf32>, vector<16xf32>
      } {sc.loop_unroll_factor = 2 : i64, sc.parallel_access}
      %rem3A_383 = arith.constant 8 : i32
      %rem3A_384 = arith.remsi %add3A_346, %rem3A_383 : i32
      %eq3A_385 = arith.constant 0 : i32
      %eq3A_386 = arith.cmpi eq, %rem3A_384, %eq3A_385 : i32
      %ge3A_387 = arith.constant 8 : i32
      %ge3A_388 = arith.cmpi sge, %add3A_346, %ge3A_387 : i32
      %and3A_389 = arith.andi %eq3A_386, %ge3A_388 : i1
      %convert_element_type3A_390 = arith.extui %and3A_389 : i1 to i32
      %cond3A_391 = arith.constant 0 : i32
      %cond3A_392 = arith.cmpi ne, %convert_element_type3A_390, %cond3A_391 : i32
      scf.if %cond3A_392 {
        %dma_wait3A_593 = arith.constant 0 : i32
        %dma_wait3A_594 = arith.constant 0 : i32
        %dma_wait3A_595 = tpu.memref_slice %arg4[%dma_wait3A_593, %dma_wait3A_594] : memref<4096x128xf32, #tpu.memory_space<hbm>> -> memref<8x128xf32, #tpu.memory_space<hbm>>
        %dma_wait3A_596 = arith.constant 0 : i32
        %dma_wait3A_597 = arith.constant 0 : i32
        %dma_wait3A_598 = tpu.memref_slice %arg4[%dma_wait3A_596, %dma_wait3A_597] : memref<4096x128xf32, #tpu.memory_space<hbm>> -> memref<8x128xf32, #tpu.memory_space<hbm>>
        tpu.wait_dma2 semaphore(%arg15 : memref<!tpu.dma_semaphore, #tpu.memory_space<semaphore_mem>>) src(%dma_wait3A_598 : memref<8x128xf32, #tpu.memory_space<hbm>>) dst(%arg10 : memref<8x128xf32, #tpu.memory_space<vmem>>)
      } else {
      }
      %mul3A_393 = arith.constant 5.000000e-03 : f32
      %mul3A_394 = vector.broadcast %mul3A_393 : f32 to vector<16xf32>
      %mul3A_395 = arith.mulf %parallel_loop3A_382#0, %mul3A_394 : vector<16xf32>
      %swap3A_396 = arith.index_cast %rem3A_384 : i32 to index
      %swap3A_397 = arith.constant 0 : index
      %swap3A_398 = tpu.vector_load %arg10[%swap3A_396, %swap3A_397] {strides = array<i32>} : memref<8x128xf32, #tpu.memory_space<vmem>>, vector<1x16xf32>,
      %swap3A_399 = vector.shape_cast %swap3A_398 : vector<1x16xf32> to vector<16xf32>
      %swap3A_400 = vector.shape_cast %mul3A_395 : vector<16xf32> to vector<1x16xf32>
      tpu.vector_store %arg10[%swap3A_396, %swap3A_397], %swap3A_400 {strides = array<i32>} : memref<8x128xf32, #tpu.memory_space<vmem>>, vector<1x16xf32>,
      %mul3A_401 = arith.constant 5.000000e-03 : f32
      %mul3A_402 = vector.broadcast %mul3A_401 : f32 to vector<16xf32>
      %mul3A_403 = arith.mulf %parallel_loop3A_382#1, %mul3A_402 : vector<16xf32>
      %swap3A_404 = arith.index_cast %rem3A_384 : i32 to index
      %swap3A_405 = arith.constant 16 : index
      %swap3A_406 = tpu.vector_load %arg10[%swap3A_404, %swap3A_405] {strides = array<i32>} : memref<8x128xf32, #tpu.memory_space<vmem>>, vector<1x16xf32>,
      %swap3A_407 = vector.shape_cast %swap3A_406 : vector<1x16xf32> to vector<16xf32>
      %swap3A_408 = vector.shape_cast %mul3A_403 : vector<16xf32> to vector<1x16xf32>
      tpu.vector_store %arg10[%swap3A_404, %swap3A_405], %swap3A_408 {strides = array<i32>} : memref<8x128xf32, #tpu.memory_space<vmem>>, vector<1x16xf32>,
      %mul3A_409 = arith.constant 5.000000e-03 : f32
      %mul3A_410 = vector.broadcast %mul3A_409 : f32 to vector<16xf32>
      %mul3A_411 = arith.mulf %parallel_loop3A_382#2, %mul3A_410 : vector<16xf32>
      %swap3A_412 = arith.index_cast %rem3A_384 : i32 to index
      %swap3A_413 = arith.constant 32 : index
      %swap3A_414 = tpu.vector_load %arg10[%swap3A_412, %swap3A_413] {strides = array<i32>} : memref<8x128xf32, #tpu.memory_space<vmem>>, vector<1x16xf32>,
      %swap3A_415 = vector.shape_cast %swap3A_414 : vector<1x16xf32> to vector<16xf32>
      %swap3A_416 = vector.shape_cast %mul3A_411 : vector<16xf32> to vector<1x16xf32>
      tpu.vector_store %arg10[%swap3A_412, %swap3A_413], %swap3A_416 {strides = array<i32>} : memref<8x128xf32, #tpu.memory_space<vmem>>, vector<1x16xf32>,
      %mul3A_417 = arith.constant 5.000000e-03 : f32
      %mul3A_418 = vector.broadcast %mul3A_417 : f32 to vector<16xf32>
      %mul3A_419 = arith.mulf %parallel_loop3A_382#3, %mul3A_418 : vector<16xf32>
      %swap3A_420 = arith.index_cast %rem3A_384 : i32 to index
      %swap3A_421 = arith.constant 48 : index
      %swap3A_422 = tpu.vector_load %arg10[%swap3A_420, %swap3A_421] {strides = array<i32>} : memref<8x128xf32, #tpu.memory_space<vmem>>, vector<1x16xf32>,
      %swap3A_423 = vector.shape_cast %swap3A_422 : vector<1x16xf32> to vector<16xf32>
      %swap3A_424 = vector.shape_cast %mul3A_419 : vector<16xf32> to vector<1x16xf32>
      tpu.vector_store %arg10[%swap3A_420, %swap3A_421], %swap3A_424 {strides = array<i32>} : memref<8x128xf32, #tpu.memory_space<vmem>>, vector<1x16xf32>,
      %mul3A_425 = arith.constant 5.000000e-03 : f32
      %mul3A_426 = vector.broadcast %mul3A_425 : f32 to vector<16xf32>
      %mul3A_427 = arith.mulf %parallel_loop3A_382#4, %mul3A_426 : vector<16xf32>
      %swap3A_428 = arith.index_cast %rem3A_384 : i32 to index
      %swap3A_429 = arith.constant 64 : index
      %swap3A_430 = tpu.vector_load %arg10[%swap3A_428, %swap3A_429] {strides = array<i32>} : memref<8x128xf32, #tpu.memory_space<vmem>>, vector<1x16xf32>,
      %swap3A_431 = vector.shape_cast %swap3A_430 : vector<1x16xf32> to vector<16xf32>
      %swap3A_432 = vector.shape_cast %mul3A_427 : vector<16xf32> to vector<1x16xf32>
      tpu.vector_store %arg10[%swap3A_428, %swap3A_429], %swap3A_432 {strides = array<i32>} : memref<8x128xf32, #tpu.memory_space<vmem>>, vector<1x16xf32>,
      %mul3A_433 = arith.constant 5.000000e-03 : f32
      %mul3A_434 = vector.broadcast %mul3A_433 : f32 to vector<16xf32>
      %mul3A_435 = arith.mulf %parallel_loop3A_382#5, %mul3A_434 : vector<16xf32>
      %swap3A_436 = arith.index_cast %rem3A_384 : i32 to index
      %swap3A_437 = arith.constant 80 : index
      %swap3A_438 = tpu.vector_load %arg10[%swap3A_436, %swap3A_437] {strides = array<i32>} : memref<8x128xf32, #tpu.memory_space<vmem>>, vector<1x16xf32>,
      %swap3A_439 = vector.shape_cast %swap3A_438 : vector<1x16xf32> to vector<16xf32>
      %swap3A_440 = vector.shape_cast %mul3A_435 : vector<16xf32> to vector<1x16xf32>
      tpu.vector_store %arg10[%swap3A_436, %swap3A_437], %swap3A_440 {strides = array<i32>} : memref<8x128xf32, #tpu.memory_space<vmem>>, vector<1x16xf32>,
      %mul3A_441 = arith.constant 5.000000e-03 : f32
      %mul3A_442 = vector.broadcast %mul3A_441 : f32 to vector<16xf32>
      %mul3A_443 = arith.mulf %parallel_loop3A_382#6, %mul3A_442 : vector<16xf32>
      %swap3A_444 = arith.index_cast %rem3A_384 : i32 to index
      %swap3A_445 = arith.constant 96 : index
      %swap3A_446 = tpu.vector_load %arg10[%swap3A_444, %swap3A_445] {strides = array<i32>} : memref<8x128xf32, #tpu.memory_space<vmem>>, vector<1x16xf32>,
      %swap3A_447 = vector.shape_cast %swap3A_446 : vector<1x16xf32> to vector<16xf32>
      %swap3A_448 = vector.shape_cast %mul3A_443 : vector<16xf32> to vector<1x16xf32>
      tpu.vector_store %arg10[%swap3A_444, %swap3A_445], %swap3A_448 {strides = array<i32>} : memref<8x128xf32, #tpu.memory_space<vmem>>, vector<1x16xf32>,
      %mul3A_449 = arith.constant 5.000000e-03 : f32
      %mul3A_450 = vector.broadcast %mul3A_449 : f32 to vector<16xf32>
      %mul3A_451 = arith.mulf %parallel_loop3A_382#7, %mul3A_450 : vector<16xf32>
      %swap3A_452 = arith.index_cast %rem3A_384 : i32 to index
      %swap3A_453 = arith.constant 112 : index
      %swap3A_454 = tpu.vector_load %arg10[%swap3A_452, %swap3A_453] {strides = array<i32>} : memref<8x128xf32, #tpu.memory_space<vmem>>, vector<1x16xf32>,
      %swap3A_455 = vector.shape_cast %swap3A_454 : vector<1x16xf32> to vector<16xf32>
      %swap3A_456 = vector.shape_cast %mul3A_451 : vector<16xf32> to vector<1x16xf32>
      tpu.vector_store %arg10[%swap3A_452, %swap3A_453], %swap3A_456 {strides = array<i32>} : memref<8x128xf32, #tpu.memory_space<vmem>>, vector<1x16xf32>,
      %eq3A_457 = arith.constant 7 : i32
      %eq3A_458 = arith.cmpi eq, %rem3A_384, %eq3A_457 : i32
      %convert_element_type3A_459 = arith.extui %eq3A_458 : i1 to i32
      %cond3A_460 = arith.constant 0 : i32
      %cond3A_461 = arith.cmpi ne, %convert_element_type3A_459, %cond3A_460 : i32
      scf.if %cond3A_461 {
        %add3A_593 = arith.addi %multiple_of3A, %add3A_346 : i32
        %sub3A = arith.constant 7 : i32
        %sub3A_594 = arith.subi %add3A_593, %sub3A : i32
        %multiple_of3A_595 = tpu.assume_multiple %sub3A_594, 8 : i32
        %dma_start3A_596 = arith.constant 0 : i32
        %dma_start3A_597 = tpu.memref_slice %arg4[%multiple_of3A_595, %dma_start3A_596] : memref<4096x128xf32, #tpu.memory_space<hbm>> -> memref<8x128xf32, #tpu.memory_space<hbm>>
        %dma_start3A_598 = arith.constant 0 : i32
        %dma_start3A_599 = tpu.memref_slice %arg4[%multiple_of3A_595, %dma_start3A_598] : memref<4096x128xf32, #tpu.memory_space<hbm>> -> memref<8x128xf32, #tpu.memory_space<hbm>>
        tpu.enqueue_dma source(%arg10 : memref<8x128xf32, #tpu.memory_space<vmem>>) target(%dma_start3A_599 : memref<8x128xf32, #tpu.memory_space<hbm>>) target_semaphore(%arg15 : memref<!tpu.dma_semaphore, #tpu.memory_space<semaphore_mem>>)
      } else {
      }
      %add3A_462 = arith.constant 4 : i32
      %add3A_463 = arith.addi %add3A_346, %add3A_462 : i32
      %lt3A_464 = arith.constant 128 : i32
      %lt3A_465 = arith.cmpi slt, %add3A_463, %lt3A_464 : i32
      %convert_element_type3A_466 = arith.extui %lt3A_465 : i1 to i32
      %cond3A_467 = arith.constant 0 : i32
      %cond3A_468 = arith.cmpi ne, %convert_element_type3A_466, %cond3A_467 : i32
      scf.if %cond3A_468 {
        %add3A_593 = arith.constant 4 : i32
        %add3A_594 = arith.addi %add3A_346, %add3A_593 : i32
        %mul3A_595 = arith.constant 200 : i32
        %mul3A_596 = arith.muli %add3A_594, %mul3A_595 : i32
        %add3A_597 = arith.constant 0 : i32
        %add3A_598 = arith.addi %mul3A_596, %add3A_597 : i32
        %multiple_of3A_599 = tpu.assume_multiple %add3A_598, 8 : i32
        %dma_start3A_600 = arith.constant 0 : i32
        %dma_start3A_601 = arith.constant 0 : i32
        %dma_start3A_602 = tpu.memref_slice %arg8[%dma_start3A_600, %dma_start3A_601] : memref<200x128xf32, #tpu.memory_space<vmem>> -> memref<96x128xf32, #tpu.memory_space<vmem>>
        %dma_start3A_603 = tpu.memref_slice %arg5[%multiple_of3A_599] : memref<25600xi32, #tpu.memory_space<vmem>> -> memref<96xi32, #tpu.memory_space<vmem>>
        %dma_start3A_604 = arith.constant 0 : i32
        %dma_start3A_605 = arith.constant 0 : i32
        %dma_start3A_606 = tpu.memref_slice %arg3[%dma_start3A_604, %dma_start3A_605] : memref<100000x128xf32, #tpu.memory_space<hbm>> -> memref<100000x128xf32, #tpu.memory_space<hbm>>
        tpu.enqueue_indirect_dma source(%dma_start3A_606 : memref<100000x128xf32, #tpu.memory_space<hbm>>) target(%dma_start3A_602 : memref<96x128xf32, #tpu.memory_space<vmem>>) offsets(%dma_start3A_603 : memref<96xi32, #tpu.memory_space<vmem>>) semaphore(%arg13 : memref<!tpu.dma_semaphore, #tpu.memory_space<semaphore_mem>>)
        %mul3A_607 = arith.constant 200 : i32
        %mul3A_608 = arith.muli %add3A_594, %mul3A_607 : i32
        %add3A_609 = arith.constant 96 : i32
        %add3A_610 = arith.addi %mul3A_608, %add3A_609 : i32
        %multiple_of3A_611 = tpu.assume_multiple %add3A_610, 8 : i32
        %dma_start3A_612 = arith.constant 96 : i32
        %dma_start3A_613 = arith.constant 0 : i32
        %dma_start3A_614 = tpu.memref_slice %arg8[%dma_start3A_612, %dma_start3A_613] : memref<200x128xf32, #tpu.memory_space<vmem>> -> memref<104x128xf32, #tpu.memory_space<vmem>>
        %dma_start3A_615 = tpu.memref_slice %arg5[%multiple_of3A_611] : memref<25600xi32, #tpu.memory_space<vmem>> -> memref<104xi32, #tpu.memory_space<vmem>>
        %dma_start3A_616 = arith.constant 0 : i32
        %dma_start3A_617 = arith.constant 0 : i32
        %dma_start3A_618 = tpu.memref_slice %arg3[%dma_start3A_616, %dma_start3A_617] : memref<100000x128xf32, #tpu.memory_space<hbm>> -> memref<100000x128xf32, #tpu.memory_space<hbm>>
        tpu.enqueue_indirect_dma source(%dma_start3A_618 : memref<100000x128xf32, #tpu.memory_space<hbm>>) target(%dma_start3A_614 : memref<104x128xf32, #tpu.memory_space<vmem>>) offsets(%dma_start3A_615 : memref<104xi32, #tpu.memory_space<vmem>>) semaphore(%arg13 : memref<!tpu.dma_semaphore, #tpu.memory_space<semaphore_mem>>)
      } else {
      }
      %add3A_469 = arith.constant 3 : i32
      %add3A_470 = arith.addi %mul3A_106, %add3A_469 : i32
      %dma_wait3A_471 = arith.constant 0 : i32
      %dma_wait3A_472 = arith.constant 0 : i32
      %dma_wait3A_473 = tpu.memref_slice %arg9[%dma_wait3A_471, %dma_wait3A_472] : memref<200x128xf32, #tpu.memory_space<vmem>> -> memref<96x128xf32, #tpu.memory_space<vmem>>
      %dma_wait3A_474 = arith.constant 0 : i32
      %dma_wait3A_475 = tpu.memref_slice %arg5[%dma_wait3A_474] : memref<25600xi32, #tpu.memory_space<vmem>> -> memref<96xi32, #tpu.memory_space<vmem>>
      %dma_wait3A_476 = arith.constant 0 : i32
      %dma_wait3A_477 = arith.constant 0 : i32
      %dma_wait3A_478 = tpu.memref_slice %arg3[%dma_wait3A_476, %dma_wait3A_477] : memref<100000x128xf32, #tpu.memory_space<hbm>> -> memref<100000x128xf32, #tpu.memory_space<hbm>>
      tpu.wait_indirect_dma semaphore(%arg14 : memref<!tpu.dma_semaphore, #tpu.memory_space<semaphore_mem>>) src(%dma_wait3A_478 : memref<100000x128xf32, #tpu.memory_space<hbm>>) dst(%dma_wait3A_473 : memref<96x128xf32, #tpu.memory_space<vmem>>)
      %dma_wait3A_479 = arith.constant 96 : i32
      %dma_wait3A_480 = arith.constant 0 : i32
      %dma_wait3A_481 = tpu.memref_slice %arg9[%dma_wait3A_479, %dma_wait3A_480] : memref<200x128xf32, #tpu.memory_space<vmem>> -> memref<104x128xf32, #tpu.memory_space<vmem>>
      %dma_wait3A_482 = arith.constant 0 : i32
      %dma_wait3A_483 = tpu.memref_slice %arg5[%dma_wait3A_482] : memref<25600xi32, #tpu.memory_space<vmem>> -> memref<104xi32, #tpu.memory_space<vmem>>
      %dma_wait3A_484 = arith.constant 0 : i32
      %dma_wait3A_485 = arith.constant 0 : i32
      %dma_wait3A_486 = tpu.memref_slice %arg3[%dma_wait3A_484, %dma_wait3A_485] : memref<100000x128xf32, #tpu.memory_space<hbm>> -> memref<100000x128xf32, #tpu.memory_space<hbm>>
      tpu.wait_indirect_dma semaphore(%arg14 : memref<!tpu.dma_semaphore, #tpu.memory_space<semaphore_mem>>) src(%dma_wait3A_486 : memref<100000x128xf32, #tpu.memory_space<hbm>>) dst(%dma_wait3A_481 : memref<104x128xf32, #tpu.memory_space<vmem>>)
      %broadcast_in_dim3A_487 = arith.constant 0.000000e+00 : f32
      %broadcast_in_dim3A_488 = vector.broadcast %broadcast_in_dim3A_487 : f32 to vector<16xf32>
      %broadcast_in_dim3A_489 = arith.constant 0.000000e+00 : f32
      %broadcast_in_dim3A_490 = vector.broadcast %broadcast_in_dim3A_489 : f32 to vector<16xf32>
      %broadcast_in_dim3A_491 = arith.constant 0.000000e+00 : f32
      %broadcast_in_dim3A_492 = vector.broadcast %broadcast_in_dim3A_491 : f32 to vector<16xf32>
      %broadcast_in_dim3A_493 = arith.constant 0.000000e+00 : f32
      %broadcast_in_dim3A_494 = vector.broadcast %broadcast_in_dim3A_493 : f32 to vector<16xf32>
      %broadcast_in_dim3A_495 = arith.constant 0.000000e+00 : f32
      %broadcast_in_dim3A_496 = vector.broadcast %broadcast_in_dim3A_495 : f32 to vector<16xf32>
      %broadcast_in_dim3A_497 = arith.constant 0.000000e+00 : f32
      %broadcast_in_dim3A_498 = vector.broadcast %broadcast_in_dim3A_497 : f32 to vector<16xf32>
      %broadcast_in_dim3A_499 = arith.constant 0.000000e+00 : f32
      %broadcast_in_dim3A_500 = vector.broadcast %broadcast_in_dim3A_499 : f32 to vector<16xf32>
      %broadcast_in_dim3A_501 = arith.constant 0.000000e+00 : f32
      %broadcast_in_dim3A_502 = vector.broadcast %broadcast_in_dim3A_501 : f32 to vector<16xf32>
      %parallel_loop3A_503 = arith.constant 0 : i32
      %parallel_loop3A_504 = arith.constant 100 : i32
      %parallel_loop3A_505 = arith.constant 1 : i32
      %parallel_loop3A_506:8 = scf.for %parallel_loop3A_593 = %parallel_loop3A_503 to %parallel_loop3A_504 step %parallel_loop3A_505 iter_args(%parallel_loop3A_594 = %broadcast_in_dim3A_488, %parallel_loop3A_595 = %broadcast_in_dim3A_490, %parallel_loop3A_596 = %broadcast_in_dim3A_492, %parallel_loop3A_597 = %broadcast_in_dim3A_494, %parallel_loop3A_598 = %broadcast_in_dim3A_496, %parallel_loop3A_599 = %broadcast_in_dim3A_498, %parallel_loop3A_600 = %broadcast_in_dim3A_500, %parallel_loop3A_601 = %broadcast_in_dim3A_502) -> (vector<16xf32>, vector<16xf32>, vector<16xf32>, vector<16xf32>, vector<16xf32>, vector<16xf32>, vector<16xf32>, vector<16xf32>)  : i32 {
        %parallel_loop3A_602 = arith.constant 0 : i32
        %parallel_loop3A_603 = arith.addi %parallel_loop3A_593, %parallel_loop3A_602 : i32
        %parallel_loop3A_604 = arith.index_cast %parallel_loop3A_603 : i32 to index
        %parallel_loop3A_605 = arith.constant 0 : index
        %parallel_loop3A_606 = tpu.vector_load %arg9[%parallel_loop3A_604, %parallel_loop3A_605] {strides = array<i32>} : memref<200x128xf32, #tpu.memory_space<vmem>>, vector<1x16xf32>,
        %parallel_loop3A_607 = vector.shape_cast %parallel_loop3A_606 : vector<1x16xf32> to vector<16xf32>
        %parallel_loop3A_608 = arith.addf %parallel_loop3A_594, %parallel_loop3A_607 : vector<16xf32>
        %parallel_loop3A_609 = arith.constant 0 : i32
        %parallel_loop3A_610 = arith.addi %parallel_loop3A_593, %parallel_loop3A_609 : i32
        %parallel_loop3A_611 = arith.index_cast %parallel_loop3A_610 : i32 to index
        %parallel_loop3A_612 = arith.constant 16 : index
        %parallel_loop3A_613 = tpu.vector_load %arg9[%parallel_loop3A_611, %parallel_loop3A_612] {strides = array<i32>} : memref<200x128xf32, #tpu.memory_space<vmem>>, vector<1x16xf32>,
        %parallel_loop3A_614 = vector.shape_cast %parallel_loop3A_613 : vector<1x16xf32> to vector<16xf32>
        %parallel_loop3A_615 = arith.addf %parallel_loop3A_595, %parallel_loop3A_614 : vector<16xf32>
        %parallel_loop3A_616 = arith.constant 0 : i32
        %parallel_loop3A_617 = arith.addi %parallel_loop3A_593, %parallel_loop3A_616 : i32
        %parallel_loop3A_618 = arith.index_cast %parallel_loop3A_617 : i32 to index
        %parallel_loop3A_619 = arith.constant 32 : index
        %parallel_loop3A_620 = tpu.vector_load %arg9[%parallel_loop3A_618, %parallel_loop3A_619] {strides = array<i32>} : memref<200x128xf32, #tpu.memory_space<vmem>>, vector<1x16xf32>,
        %parallel_loop3A_621 = vector.shape_cast %parallel_loop3A_620 : vector<1x16xf32> to vector<16xf32>
        %parallel_loop3A_622 = arith.addf %parallel_loop3A_596, %parallel_loop3A_621 : vector<16xf32>
        %parallel_loop3A_623 = arith.constant 0 : i32
        %parallel_loop3A_624 = arith.addi %parallel_loop3A_593, %parallel_loop3A_623 : i32
        %parallel_loop3A_625 = arith.index_cast %parallel_loop3A_624 : i32 to index
        %parallel_loop3A_626 = arith.constant 48 : index
        %parallel_loop3A_627 = tpu.vector_load %arg9[%parallel_loop3A_625, %parallel_loop3A_626] {strides = array<i32>} : memref<200x128xf32, #tpu.memory_space<vmem>>, vector<1x16xf32>,
        %parallel_loop3A_628 = vector.shape_cast %parallel_loop3A_627 : vector<1x16xf32> to vector<16xf32>
        %parallel_loop3A_629 = arith.addf %parallel_loop3A_597, %parallel_loop3A_628 : vector<16xf32>
        %parallel_loop3A_630 = arith.constant 0 : i32
        %parallel_loop3A_631 = arith.addi %parallel_loop3A_593, %parallel_loop3A_630 : i32
        %parallel_loop3A_632 = arith.index_cast %parallel_loop3A_631 : i32 to index
        %parallel_loop3A_633 = arith.constant 64 : index
        %parallel_loop3A_634 = tpu.vector_load %arg9[%parallel_loop3A_632, %parallel_loop3A_633] {strides = array<i32>} : memref<200x128xf32, #tpu.memory_space<vmem>>, vector<1x16xf32>,
        %parallel_loop3A_635 = vector.shape_cast %parallel_loop3A_634 : vector<1x16xf32> to vector<16xf32>
        %parallel_loop3A_636 = arith.addf %parallel_loop3A_598, %parallel_loop3A_635 : vector<16xf32>
        %parallel_loop3A_637 = arith.constant 0 : i32
        %parallel_loop3A_638 = arith.addi %parallel_loop3A_593, %parallel_loop3A_637 : i32
        %parallel_loop3A_639 = arith.index_cast %parallel_loop3A_638 : i32 to index
        %parallel_loop3A_640 = arith.constant 80 : index
        %parallel_loop3A_641 = tpu.vector_load %arg9[%parallel_loop3A_639, %parallel_loop3A_640] {strides = array<i32>} : memref<200x128xf32, #tpu.memory_space<vmem>>, vector<1x16xf32>,
        %parallel_loop3A_642 = vector.shape_cast %parallel_loop3A_641 : vector<1x16xf32> to vector<16xf32>
        %parallel_loop3A_643 = arith.addf %parallel_loop3A_599, %parallel_loop3A_642 : vector<16xf32>
        %parallel_loop3A_644 = arith.constant 0 : i32
        %parallel_loop3A_645 = arith.addi %parallel_loop3A_593, %parallel_loop3A_644 : i32
        %parallel_loop3A_646 = arith.index_cast %parallel_loop3A_645 : i32 to index
        %parallel_loop3A_647 = arith.constant 96 : index
        %parallel_loop3A_648 = tpu.vector_load %arg9[%parallel_loop3A_646, %parallel_loop3A_647] {strides = array<i32>} : memref<200x128xf32, #tpu.memory_space<vmem>>, vector<1x16xf32>,
        %parallel_loop3A_649 = vector.shape_cast %parallel_loop3A_648 : vector<1x16xf32> to vector<16xf32>
        %parallel_loop3A_650 = arith.addf %parallel_loop3A_600, %parallel_loop3A_649 : vector<16xf32>
        %parallel_loop3A_651 = arith.constant 0 : i32
        %parallel_loop3A_652 = arith.addi %parallel_loop3A_593, %parallel_loop3A_651 : i32
        %parallel_loop3A_653 = arith.index_cast %parallel_loop3A_652 : i32 to index
        %parallel_loop3A_654 = arith.constant 112 : index
        %parallel_loop3A_655 = tpu.vector_load %arg9[%parallel_loop3A_653, %parallel_loop3A_654] {strides = array<i32>} : memref<200x128xf32, #tpu.memory_space<vmem>>, vector<1x16xf32>,
        %parallel_loop3A_656 = vector.shape_cast %parallel_loop3A_655 : vector<1x16xf32> to vector<16xf32>
        %parallel_loop3A_657 = arith.addf %parallel_loop3A_601, %parallel_loop3A_656 : vector<16xf32>
        %parallel_loop3A_658 = arith.constant 100 : i32
        %parallel_loop3A_659 = arith.addi %parallel_loop3A_593, %parallel_loop3A_658 : i32
        %parallel_loop3A_660 = arith.index_cast %parallel_loop3A_659 : i32 to index
        %parallel_loop3A_661 = arith.constant 0 : index
        %parallel_loop3A_662 = tpu.vector_load %arg9[%parallel_loop3A_660, %parallel_loop3A_661] {strides = array<i32>} : memref<200x128xf32, #tpu.memory_space<vmem>>, vector<1x16xf32>,
        %parallel_loop3A_663 = vector.shape_cast %parallel_loop3A_662 : vector<1x16xf32> to vector<16xf32>
        %parallel_loop3A_664 = arith.addf %parallel_loop3A_608, %parallel_loop3A_663 : vector<16xf32>
        %parallel_loop3A_665 = arith.constant 100 : i32
        %parallel_loop3A_666 = arith.addi %parallel_loop3A_593, %parallel_loop3A_665 : i32
        %parallel_loop3A_667 = arith.index_cast %parallel_loop3A_666 : i32 to index
        %parallel_loop3A_668 = arith.constant 16 : index
        %parallel_loop3A_669 = tpu.vector_load %arg9[%parallel_loop3A_667, %parallel_loop3A_668] {strides = array<i32>} : memref<200x128xf32, #tpu.memory_space<vmem>>, vector<1x16xf32>,
        %parallel_loop3A_670 = vector.shape_cast %parallel_loop3A_669 : vector<1x16xf32> to vector<16xf32>
        %parallel_loop3A_671 = arith.addf %parallel_loop3A_615, %parallel_loop3A_670 : vector<16xf32>
        %parallel_loop3A_672 = arith.constant 100 : i32
        %parallel_loop3A_673 = arith.addi %parallel_loop3A_593, %parallel_loop3A_672 : i32
        %parallel_loop3A_674 = arith.index_cast %parallel_loop3A_673 : i32 to index
        %parallel_loop3A_675 = arith.constant 32 : index
        %parallel_loop3A_676 = tpu.vector_load %arg9[%parallel_loop3A_674, %parallel_loop3A_675] {strides = array<i32>} : memref<200x128xf32, #tpu.memory_space<vmem>>, vector<1x16xf32>,
        %parallel_loop3A_677 = vector.shape_cast %parallel_loop3A_676 : vector<1x16xf32> to vector<16xf32>
        %parallel_loop3A_678 = arith.addf %parallel_loop3A_622, %parallel_loop3A_677 : vector<16xf32>
        %parallel_loop3A_679 = arith.constant 100 : i32
        %parallel_loop3A_680 = arith.addi %parallel_loop3A_593, %parallel_loop3A_679 : i32
        %parallel_loop3A_681 = arith.index_cast %parallel_loop3A_680 : i32 to index
        %parallel_loop3A_682 = arith.constant 48 : index
        %parallel_loop3A_683 = tpu.vector_load %arg9[%parallel_loop3A_681, %parallel_loop3A_682] {strides = array<i32>} : memref<200x128xf32, #tpu.memory_space<vmem>>, vector<1x16xf32>,
        %parallel_loop3A_684 = vector.shape_cast %parallel_loop3A_683 : vector<1x16xf32> to vector<16xf32>
        %parallel_loop3A_685 = arith.addf %parallel_loop3A_629, %parallel_loop3A_684 : vector<16xf32>
        %parallel_loop3A_686 = arith.constant 100 : i32
        %parallel_loop3A_687 = arith.addi %parallel_loop3A_593, %parallel_loop3A_686 : i32
        %parallel_loop3A_688 = arith.index_cast %parallel_loop3A_687 : i32 to index
        %parallel_loop3A_689 = arith.constant 64 : index
        %parallel_loop3A_690 = tpu.vector_load %arg9[%parallel_loop3A_688, %parallel_loop3A_689] {strides = array<i32>} : memref<200x128xf32, #tpu.memory_space<vmem>>, vector<1x16xf32>,
        %parallel_loop3A_691 = vector.shape_cast %parallel_loop3A_690 : vector<1x16xf32> to vector<16xf32>
        %parallel_loop3A_692 = arith.addf %parallel_loop3A_636, %parallel_loop3A_691 : vector<16xf32>
        %parallel_loop3A_693 = arith.constant 100 : i32
        %parallel_loop3A_694 = arith.addi %parallel_loop3A_593, %parallel_loop3A_693 : i32
        %parallel_loop3A_695 = arith.index_cast %parallel_loop3A_694 : i32 to index
        %parallel_loop3A_696 = arith.constant 80 : index
        %parallel_loop3A_697 = tpu.vector_load %arg9[%parallel_loop3A_695, %parallel_loop3A_696] {strides = array<i32>} : memref<200x128xf32, #tpu.memory_space<vmem>>, vector<1x16xf32>,
        %parallel_loop3A_698 = vector.shape_cast %parallel_loop3A_697 : vector<1x16xf32> to vector<16xf32>
        %parallel_loop3A_699 = arith.addf %parallel_loop3A_643, %parallel_loop3A_698 : vector<16xf32>
        %parallel_loop3A_700 = arith.constant 100 : i32
        %parallel_loop3A_701 = arith.addi %parallel_loop3A_593, %parallel_loop3A_700 : i32
        %parallel_loop3A_702 = arith.index_cast %parallel_loop3A_701 : i32 to index
        %parallel_loop3A_703 = arith.constant 96 : index
        %parallel_loop3A_704 = tpu.vector_load %arg9[%parallel_loop3A_702, %parallel_loop3A_703] {strides = array<i32>} : memref<200x128xf32, #tpu.memory_space<vmem>>, vector<1x16xf32>,
        %parallel_loop3A_705 = vector.shape_cast %parallel_loop3A_704 : vector<1x16xf32> to vector<16xf32>
        %parallel_loop3A_706 = arith.addf %parallel_loop3A_650, %parallel_loop3A_705 : vector<16xf32>
        %parallel_loop3A_707 = arith.constant 100 : i32
        %parallel_loop3A_708 = arith.addi %parallel_loop3A_593, %parallel_loop3A_707 : i32
        %parallel_loop3A_709 = arith.index_cast %parallel_loop3A_708 : i32 to index
        %parallel_loop3A_710 = arith.constant 112 : index
        %parallel_loop3A_711 = tpu.vector_load %arg9[%parallel_loop3A_709, %parallel_loop3A_710] {strides = array<i32>} : memref<200x128xf32, #tpu.memory_space<vmem>>, vector<1x16xf32>,
        %parallel_loop3A_712 = vector.shape_cast %parallel_loop3A_711 : vector<1x16xf32> to vector<16xf32>
        %parallel_loop3A_713 = arith.addf %parallel_loop3A_657, %parallel_loop3A_712 : vector<16xf32>
        scf.yield %parallel_loop3A_664, %parallel_loop3A_671, %parallel_loop3A_678, %parallel_loop3A_685, %parallel_loop3A_692, %parallel_loop3A_699, %parallel_loop3A_706, %parallel_loop3A_713 : vector<16xf32>, vector<16xf32>, vector<16xf32>, vector<16xf32>, vector<16xf32>, vector<16xf32>, vector<16xf32>, vector<16xf32>
      } {sc.loop_unroll_factor = 2 : i64, sc.parallel_access}
      %rem3A_507 = arith.constant 8 : i32
      %rem3A_508 = arith.remsi %add3A_470, %rem3A_507 : i32
      %eq3A_509 = arith.constant 0 : i32
      %eq3A_510 = arith.cmpi eq, %rem3A_508, %eq3A_509 : i32
      %ge3A_511 = arith.constant 8 : i32
      %ge3A_512 = arith.cmpi sge, %add3A_470, %ge3A_511 : i32
      %and3A_513 = arith.andi %eq3A_510, %ge3A_512 : i1
      %convert_element_type3A_514 = arith.extui %and3A_513 : i1 to i32
      %cond3A_515 = arith.constant 0 : i32
      %cond3A_516 = arith.cmpi ne, %convert_element_type3A_514, %cond3A_515 : i32
      scf.if %cond3A_516 {
        %dma_wait3A_593 = arith.constant 0 : i32
        %dma_wait3A_594 = arith.constant 0 : i32
        %dma_wait3A_595 = tpu.memref_slice %arg4[%dma_wait3A_593, %dma_wait3A_594] : memref<4096x128xf32, #tpu.memory_space<hbm>> -> memref<8x128xf32, #tpu.memory_space<hbm>>
        %dma_wait3A_596 = arith.constant 0 : i32
        %dma_wait3A_597 = arith.constant 0 : i32
        %dma_wait3A_598 = tpu.memref_slice %arg4[%dma_wait3A_596, %dma_wait3A_597] : memref<4096x128xf32, #tpu.memory_space<hbm>> -> memref<8x128xf32, #tpu.memory_space<hbm>>
        tpu.wait_dma2 semaphore(%arg15 : memref<!tpu.dma_semaphore, #tpu.memory_space<semaphore_mem>>) src(%dma_wait3A_598 : memref<8x128xf32, #tpu.memory_space<hbm>>) dst(%arg10 : memref<8x128xf32, #tpu.memory_space<vmem>>)
      } else {
      }
      %mul3A_517 = arith.constant 5.000000e-03 : f32
      %mul3A_518 = vector.broadcast %mul3A_517 : f32 to vector<16xf32>
      %mul3A_519 = arith.mulf %parallel_loop3A_506#0, %mul3A_518 : vector<16xf32>
      %swap3A_520 = arith.index_cast %rem3A_508 : i32 to index
      %swap3A_521 = arith.constant 0 : index
      %swap3A_522 = tpu.vector_load %arg10[%swap3A_520, %swap3A_521] {strides = array<i32>} : memref<8x128xf32, #tpu.memory_space<vmem>>, vector<1x16xf32>,
      %swap3A_523 = vector.shape_cast %swap3A_522 : vector<1x16xf32> to vector<16xf32>
      %swap3A_524 = vector.shape_cast %mul3A_519 : vector<16xf32> to vector<1x16xf32>
      tpu.vector_store %arg10[%swap3A_520, %swap3A_521], %swap3A_524 {strides = array<i32>} : memref<8x128xf32, #tpu.memory_space<vmem>>, vector<1x16xf32>,
      %mul3A_525 = arith.constant 5.000000e-03 : f32
      %mul3A_526 = vector.broadcast %mul3A_525 : f32 to vector<16xf32>
      %mul3A_527 = arith.mulf %parallel_loop3A_506#1, %mul3A_526 : vector<16xf32>
      %swap3A_528 = arith.index_cast %rem3A_508 : i32 to index
      %swap3A_529 = arith.constant 16 : index
      %swap3A_530 = tpu.vector_load %arg10[%swap3A_528, %swap3A_529] {strides = array<i32>} : memref<8x128xf32, #tpu.memory_space<vmem>>, vector<1x16xf32>,
      %swap3A_531 = vector.shape_cast %swap3A_530 : vector<1x16xf32> to vector<16xf32>
      %swap3A_532 = vector.shape_cast %mul3A_527 : vector<16xf32> to vector<1x16xf32>
      tpu.vector_store %arg10[%swap3A_528, %swap3A_529], %swap3A_532 {strides = array<i32>} : memref<8x128xf32, #tpu.memory_space<vmem>>, vector<1x16xf32>,
      %mul3A_533 = arith.constant 5.000000e-03 : f32
      %mul3A_534 = vector.broadcast %mul3A_533 : f32 to vector<16xf32>
      %mul3A_535 = arith.mulf %parallel_loop3A_506#2, %mul3A_534 : vector<16xf32>
      %swap3A_536 = arith.index_cast %rem3A_508 : i32 to index
      %swap3A_537 = arith.constant 32 : index
      %swap3A_538 = tpu.vector_load %arg10[%swap3A_536, %swap3A_537] {strides = array<i32>} : memref<8x128xf32, #tpu.memory_space<vmem>>, vector<1x16xf32>,
      %swap3A_539 = vector.shape_cast %swap3A_538 : vector<1x16xf32> to vector<16xf32>
      %swap3A_540 = vector.shape_cast %mul3A_535 : vector<16xf32> to vector<1x16xf32>
      tpu.vector_store %arg10[%swap3A_536, %swap3A_537], %swap3A_540 {strides = array<i32>} : memref<8x128xf32, #tpu.memory_space<vmem>>, vector<1x16xf32>,
      %mul3A_541 = arith.constant 5.000000e-03 : f32
      %mul3A_542 = vector.broadcast %mul3A_541 : f32 to vector<16xf32>
      %mul3A_543 = arith.mulf %parallel_loop3A_506#3, %mul3A_542 : vector<16xf32>
      %swap3A_544 = arith.index_cast %rem3A_508 : i32 to index
      %swap3A_545 = arith.constant 48 : index
      %swap3A_546 = tpu.vector_load %arg10[%swap3A_544, %swap3A_545] {strides = array<i32>} : memref<8x128xf32, #tpu.memory_space<vmem>>, vector<1x16xf32>,
      %swap3A_547 = vector.shape_cast %swap3A_546 : vector<1x16xf32> to vector<16xf32>
      %swap3A_548 = vector.shape_cast %mul3A_543 : vector<16xf32> to vector<1x16xf32>
      tpu.vector_store %arg10[%swap3A_544, %swap3A_545], %swap3A_548 {strides = array<i32>} : memref<8x128xf32, #tpu.memory_space<vmem>>, vector<1x16xf32>,
      %mul3A_549 = arith.constant 5.000000e-03 : f32
      %mul3A_550 = vector.broadcast %mul3A_549 : f32 to vector<16xf32>
      %mul3A_551 = arith.mulf %parallel_loop3A_506#4, %mul3A_550 : vector<16xf32>
      %swap3A_552 = arith.index_cast %rem3A_508 : i32 to index
      %swap3A_553 = arith.constant 64 : index
      %swap3A_554 = tpu.vector_load %arg10[%swap3A_552, %swap3A_553] {strides = array<i32>} : memref<8x128xf32, #tpu.memory_space<vmem>>, vector<1x16xf32>,
      %swap3A_555 = vector.shape_cast %swap3A_554 : vector<1x16xf32> to vector<16xf32>
      %swap3A_556 = vector.shape_cast %mul3A_551 : vector<16xf32> to vector<1x16xf32>
      tpu.vector_store %arg10[%swap3A_552, %swap3A_553], %swap3A_556 {strides = array<i32>} : memref<8x128xf32, #tpu.memory_space<vmem>>, vector<1x16xf32>,
      %mul3A_557 = arith.constant 5.000000e-03 : f32
      %mul3A_558 = vector.broadcast %mul3A_557 : f32 to vector<16xf32>
      %mul3A_559 = arith.mulf %parallel_loop3A_506#5, %mul3A_558 : vector<16xf32>
      %swap3A_560 = arith.index_cast %rem3A_508 : i32 to index
      %swap3A_561 = arith.constant 80 : index
      %swap3A_562 = tpu.vector_load %arg10[%swap3A_560, %swap3A_561] {strides = array<i32>} : memref<8x128xf32, #tpu.memory_space<vmem>>, vector<1x16xf32>,
      %swap3A_563 = vector.shape_cast %swap3A_562 : vector<1x16xf32> to vector<16xf32>
      %swap3A_564 = vector.shape_cast %mul3A_559 : vector<16xf32> to vector<1x16xf32>
      tpu.vector_store %arg10[%swap3A_560, %swap3A_561], %swap3A_564 {strides = array<i32>} : memref<8x128xf32, #tpu.memory_space<vmem>>, vector<1x16xf32>,
      %mul3A_565 = arith.constant 5.000000e-03 : f32
      %mul3A_566 = vector.broadcast %mul3A_565 : f32 to vector<16xf32>
      %mul3A_567 = arith.mulf %parallel_loop3A_506#6, %mul3A_566 : vector<16xf32>
      %swap3A_568 = arith.index_cast %rem3A_508 : i32 to index
      %swap3A_569 = arith.constant 96 : index
      %swap3A_570 = tpu.vector_load %arg10[%swap3A_568, %swap3A_569] {strides = array<i32>} : memref<8x128xf32, #tpu.memory_space<vmem>>, vector<1x16xf32>,
      %swap3A_571 = vector.shape_cast %swap3A_570 : vector<1x16xf32> to vector<16xf32>
      %swap3A_572 = vector.shape_cast %mul3A_567 : vector<16xf32> to vector<1x16xf32>
      tpu.vector_store %arg10[%swap3A_568, %swap3A_569], %swap3A_572 {strides = array<i32>} : memref<8x128xf32, #tpu.memory_space<vmem>>, vector<1x16xf32>,
      %mul3A_573 = arith.constant 5.000000e-03 : f32
      %mul3A_574 = vector.broadcast %mul3A_573 : f32 to vector<16xf32>
      %mul3A_575 = arith.mulf %parallel_loop3A_506#7, %mul3A_574 : vector<16xf32>
      %swap3A_576 = arith.index_cast %rem3A_508 : i32 to index
      %swap3A_577 = arith.constant 112 : index
      %swap3A_578 = tpu.vector_load %arg10[%swap3A_576, %swap3A_577] {strides = array<i32>} : memref<8x128xf32, #tpu.memory_space<vmem>>, vector<1x16xf32>,
      %swap3A_579 = vector.shape_cast %swap3A_578 : vector<1x16xf32> to vector<16xf32>
      %swap3A_580 = vector.shape_cast %mul3A_575 : vector<16xf32> to vector<1x16xf32>
      tpu.vector_store %arg10[%swap3A_576, %swap3A_577], %swap3A_580 {strides = array<i32>} : memref<8x128xf32, #tpu.memory_space<vmem>>, vector<1x16xf32>,
      %eq3A_581 = arith.constant 7 : i32
      %eq3A_582 = arith.cmpi eq, %rem3A_508, %eq3A_581 : i32
      %convert_element_type3A_583 = arith.extui %eq3A_582 : i1 to i32
      %cond3A_584 = arith.constant 0 : i32
      %cond3A_585 = arith.cmpi ne, %convert_element_type3A_583, %cond3A_584 : i32
      scf.if %cond3A_585 {
        %add3A_593 = arith.addi %multiple_of3A, %add3A_470 : i32
        %sub3A = arith.constant 7 : i32
        %sub3A_594 = arith.subi %add3A_593, %sub3A : i32
        %multiple_of3A_595 = tpu.assume_multiple %sub3A_594, 8 : i32
        %dma_start3A_596 = arith.constant 0 : i32
        %dma_start3A_597 = tpu.memref_slice %arg4[%multiple_of3A_595, %dma_start3A_596] : memref<4096x128xf32, #tpu.memory_space<hbm>> -> memref<8x128xf32, #tpu.memory_space<hbm>>
        %dma_start3A_598 = arith.constant 0 : i32
        %dma_start3A_599 = tpu.memref_slice %arg4[%multiple_of3A_595, %dma_start3A_598] : memref<4096x128xf32, #tpu.memory_space<hbm>> -> memref<8x128xf32, #tpu.memory_space<hbm>>
        tpu.enqueue_dma source(%arg10 : memref<8x128xf32, #tpu.memory_space<vmem>>) target(%dma_start3A_599 : memref<8x128xf32, #tpu.memory_space<hbm>>) target_semaphore(%arg15 : memref<!tpu.dma_semaphore, #tpu.memory_space<semaphore_mem>>)
      } else {
      }
      %add3A_586 = arith.constant 4 : i32
      %add3A_587 = arith.addi %add3A_470, %add3A_586 : i32
      %lt3A_588 = arith.constant 128 : i32
      %lt3A_589 = arith.cmpi slt, %add3A_587, %lt3A_588 : i32
      %convert_element_type3A_590 = arith.extui %lt3A_589 : i1 to i32
      %cond3A_591 = arith.constant 0 : i32
      %cond3A_592 = arith.cmpi ne, %convert_element_type3A_590, %cond3A_591 : i32
      scf.if %cond3A_592 {
        %add3A_593 = arith.constant 4 : i32
        %add3A_594 = arith.addi %add3A_470, %add3A_593 : i32
        %mul3A_595 = arith.constant 200 : i32
        %mul3A_596 = arith.muli %add3A_594, %mul3A_595 : i32
        %add3A_597 = arith.constant 0 : i32
        %add3A_598 = arith.addi %mul3A_596, %add3A_597 : i32
        %multiple_of3A_599 = tpu.assume_multiple %add3A_598, 8 : i32
        %dma_start3A_600 = arith.constant 0 : i32
        %dma_start3A_601 = arith.constant 0 : i32
        %dma_start3A_602 = tpu.memref_slice %arg9[%dma_start3A_600, %dma_start3A_601] : memref<200x128xf32, #tpu.memory_space<vmem>> -> memref<96x128xf32, #tpu.memory_space<vmem>>
        %dma_start3A_603 = tpu.memref_slice %arg5[%multiple_of3A_599] : memref<25600xi32, #tpu.memory_space<vmem>> -> memref<96xi32, #tpu.memory_space<vmem>>
        %dma_start3A_604 = arith.constant 0 : i32
        %dma_start3A_605 = arith.constant 0 : i32
        %dma_start3A_606 = tpu.memref_slice %arg3[%dma_start3A_604, %dma_start3A_605] : memref<100000x128xf32, #tpu.memory_space<hbm>> -> memref<100000x128xf32, #tpu.memory_space<hbm>>
        tpu.enqueue_indirect_dma source(%dma_start3A_606 : memref<100000x128xf32, #tpu.memory_space<hbm>>) target(%dma_start3A_602 : memref<96x128xf32, #tpu.memory_space<vmem>>) offsets(%dma_start3A_603 : memref<96xi32, #tpu.memory_space<vmem>>) semaphore(%arg14 : memref<!tpu.dma_semaphore, #tpu.memory_space<semaphore_mem>>)
        %mul3A_607 = arith.constant 200 : i32
        %mul3A_608 = arith.muli %add3A_594, %mul3A_607 : i32
        %add3A_609 = arith.constant 96 : i32
        %add3A_610 = arith.addi %mul3A_608, %add3A_609 : i32
        %multiple_of3A_611 = tpu.assume_multiple %add3A_610, 8 : i32
        %dma_start3A_612 = arith.constant 96 : i32
        %dma_start3A_613 = arith.constant 0 : i32
        %dma_start3A_614 = tpu.memref_slice %arg9[%dma_start3A_612, %dma_start3A_613] : memref<200x128xf32, #tpu.memory_space<vmem>> -> memref<104x128xf32, #tpu.memory_space<vmem>>
        %dma_start3A_615 = tpu.memref_slice %arg5[%multiple_of3A_611] : memref<25600xi32, #tpu.memory_space<vmem>> -> memref<104xi32, #tpu.memory_space<vmem>>
        %dma_start3A_616 = arith.constant 0 : i32
        %dma_start3A_617 = arith.constant 0 : i32
        %dma_start3A_618 = tpu.memref_slice %arg3[%dma_start3A_616, %dma_start3A_617] : memref<100000x128xf32, #tpu.memory_space<hbm>> -> memref<100000x128xf32, #tpu.memory_space<hbm>>
        tpu.enqueue_indirect_dma source(%dma_start3A_618 : memref<100000x128xf32, #tpu.memory_space<hbm>>) target(%dma_start3A_614 : memref<104x128xf32, #tpu.memory_space<vmem>>) offsets(%dma_start3A_615 : memref<104xi32, #tpu.memory_space<vmem>>) semaphore(%arg14 : memref<!tpu.dma_semaphore, #tpu.memory_space<semaphore_mem>>)
      } else {
      }
    }
    %scan3A_97 = arith.constant 32 : i32
    %dma_wait3A_98 = arith.constant 0 : i32
    %dma_wait3A_99 = arith.constant 0 : i32
    %dma_wait3A_100 = tpu.memref_slice %arg4[%dma_wait3A_98, %dma_wait3A_99] : memref<4096x128xf32, #tpu.memory_space<hbm>> -> memref<8x128xf32, #tpu.memory_space<hbm>>
    %dma_wait3A_101 = arith.constant 0 : i32
    %dma_wait3A_102 = arith.constant 0 : i32
    %dma_wait3A_103 = tpu.memref_slice %arg4[%dma_wait3A_101, %dma_wait3A_102] : memref<4096x128xf32, #tpu.memory_space<hbm>> -> memref<8x128xf32, #tpu.memory_space<hbm>>
    tpu.wait_dma2 semaphore(%arg15 : memref<!tpu.dma_semaphore, #tpu.memory_space<semaphore_mem>>) src(%dma_wait3A_103 : memref<8x128xf32, #tpu.memory_space<hbm>>) dst(%arg10 : memref<8x128xf32, #tpu.memory_space<vmem>>)
    return
  }
}

module attributes {stable_mosaic.version = 14 : i64} {
  func.func @_head_body(%arg0: memref<4096x128xf32, #tpu.memory_space<vmem>>, %arg1: memref<128x100xf32, #tpu.memory_space<vmem>>, %arg2: memref<1x100xf32, #tpu.memory_space<vmem>>, %arg3: memref<4096x100xf32, #tpu.memory_space<vmem>>) attributes {dimension_semantics = [], scalar_prefetch = 0 : i64, scratch_operands = 0 : i64, tpu.core_type = #tpu.core_type<tc>} {
    %get3A = arith.constant 0 : index
    %get3A_0 = arith.constant 0 : index
    %get3A_1 = vector.load %arg0[%get3A, %get3A_0] : memref<4096x128xf32, #tpu.memory_space<vmem>>, vector<4096x128xf32>
    %get3A_2 = arith.constant 0 : index
    %get3A_3 = arith.constant 0 : index
    %get3A_4 = vector.load %arg1[%get3A_2, %get3A_3] : memref<128x100xf32, #tpu.memory_space<vmem>>, vector<128x100xf32>
    %dot_general3A = arith.constant dense<0.000000e+00> : vector<4096x100xf32>
    %dot_general3A_5 = tpu.matmul %get3A_1, %get3A_4, %dot_general3A {dimension_numbers = #tpu.dot_dimension_numbers<[1], [0], [0], [1], [0, 0, 1, 1], [], []>, transpose_lhs_hint = false} : vector<4096x128xf32>, vector<128x100xf32>, vector<4096x100xf32> -> vector<4096x100xf32>
    %get3A_6 = arith.constant 0 : index
    %get3A_7 = arith.constant 0 : index
    %get3A_8 = vector.load %arg2[%get3A_6, %get3A_7] : memref<1x100xf32, #tpu.memory_space<vmem>>, vector<1x100xf32>
    %add3A = vector.broadcast %get3A_8 : vector<1x100xf32> to vector<4096x100xf32>
    %add3A_9 = arith.addf %dot_general3A_5, %add3A : vector<4096x100xf32>
    %logistic3A = arith.negf %add3A_9 : vector<4096x100xf32>
    %logistic3A_10 = math.exp %logistic3A : vector<4096x100xf32>
    %logistic3A_11 = arith.constant 1.000000e+00 : f32
    %logistic3A_12 = vector.broadcast %logistic3A_11 : f32 to vector<4096x100xf32>
    %logistic3A_13 = arith.addf %logistic3A_12, %logistic3A_10 : vector<4096x100xf32>
    %logistic3A_14 = arith.divf %logistic3A_12, %logistic3A_13 : vector<4096x100xf32>
    %swap3A = arith.constant 0 : index
    %swap3A_15 = arith.constant 0 : index
    %swap3A_16 = vector.load %arg3[%swap3A, %swap3A_15] : memref<4096x100xf32, #tpu.memory_space<vmem>>, vector<4096x100xf32>
    tpu.vector_store %arg3[%swap3A, %swap3A_15], %logistic3A_14 {strides = array<i32>} : memref<4096x100xf32, #tpu.memory_space<vmem>>, vector<4096x100xf32>,
    return
  }
}

</mosaic_0001>

<sc_bundles>
// kernel: kernel.4.cloned.1.call-start
scs
__scs_entry_jumppad:
0x0: {  	(pc) =	sbr.rel $0x88, $3  }
0x1: {  	(tag) =	ssettag $0x0;
	lr =	simm.s32 $0x1  }
0x2: {  	[smem:$0x3F9D] =	sst lr;
	_ =	strace $0xD0000000  }
0x3: {  	_ = 	snop  }
0x4: {  	_ = 	snop  }
0x5: {  	_ = 	snop  }
0x6: {  	_ = 	snop  }
0x7: {  	_ = 	snop  }
__scs_overlays_trampoline_lowered:
0x8: {  	[smem:$0x3FAC] =	sst s0  }
0x9: {  	[smem:$0x3FAD] =	sst s1  }
0xa: {  	[smem:$0x3FAE] =	sst s2  }
0xb: {  	[smem:$0x3FAF] =	sst s3  }
0xc: {  	[smem:$0x3FB0] =	sst s4  }
0xd: {  	[smem:$0x3FB1] =	sst s5  }
0xe: {  	[smem:$0x3FB2] =	sst s6  }
0xf: {  	[smem:$0x3FB3] =	sst s7  }
0x10: {  	[smem:$0x3FB4] =	sst s8  }
0x11: {  	[smem:$0x3FB5] =	sst s9;
	s0 =	simm.s32 @!p0 $0x0  }
0x12: {  	s1 =	sld [smem:$0x3F9B];
	s0 =	simm.s32 @p0 $0x1  }
0x13: {  	[smem:$0x3FB6] =	sst s0;
	s0 =	simm.s32 @!p1 $0x0  }
0x14: {  	s2 =	sld [smem:$0x3F9A];
	s0 =	simm.s32 @p1 $0x1  }
0x15: {  	[smem:$0x3FB7] =	sst s0;
	s0 =	simm.s32 @!p2 $0x0  }
0x16: {  	s3 =	sld [smem:$0x3FDB];
	s0 =	simm.s32 @p2 $0x1  }
0x17: {  	s4 =	simm.s32 $0x1BF5;
	[smem:$0x3FB9] =	sst s0  }
0x18: {  	s0 =	sld [smem:$0x3F9C];
	_ =	swait.ge [sflag:s4], $0x0  }
0x19: {  	s7 =	sld [smem:$0x3F9D]  }
0x1a: {  	s8 =	sadd.s32 $0xFFFFE003, lr  }
0x1b: {  	s9 =	sadd.s32 $0xFFFFFEF7, lr;
	s5 =	simm.s32 $0xFFFFFFFF;
	p2 =	slt.u32 s8, $0xFFFFF086  }
0x1c: {  	p1 =	slt.u32 s9, $0xF7A;
	s5 =	simm.s32 @!p2 $0x0  }
0x1d: {  	s5 =	simm.s32 @p1 $0x1;
	p0 =	seq.s32 s7, s2  }
0x1e: {  	s7 =	smul.u32 @!p0 $0xF7A, s2;
	p2 =	seq.s32 @!p0 s5, $0x0  }
0x1f: {  	s9 =	smul.u32 $0xF7A, s1;
	s8 =	simm.s32 @!p0 $0x1BF5;
	p2 =	por !p2, p0  }
0x20: {  	[sflag:s8] =	ssyncset.s32 @!p0 $0xFFFFF086;
	s6 =	sadd.s32 @!p0 s3, s7;
	s7 =	simm.s32 @!p0 $0x108  }
0x21: {  	s3 =	sadd.s32 s3, s9;
	s6 =	sadd.s32 @!p0 $0x88, s6;
	s7 =	simm.s32 @p2 $0x1082  }
0x22: {  	[simem:s7], [sflag:s8] =	dma.local @!p0 [hbm:s6], $0xF7A  }
0x23: {  	s9 =	sor.u32 $0xD0000000, s2;
	s6 =	simm.s32 $0x108;
	_ =	swait.ge @!p0 [sflag:s8], $0x0  }
0x24: {  	s3 =	sadd.s32 $0x88, s3;
	s6 =	simm.s32 @!p1 $0x1082;
	[sflag:s4] =	ssyncset.s32 $0xFFFFF086  }
0x25: {  	[simem:s6], [sflag:s4] =	dma.local [hbm:s3], $0xF7A  }
0x26: {  	[smem:$0x3F9D] =	sst s1;
	(tag) =	ssettag s2;
	_ =	strace s9  }
0x27: {  	s1 =	sld [smem:$0x3FAD]  }
0x28: {  	s2 =	sld [smem:$0x3FAE]  }
0x29: {  	s4 =	sld [smem:$0x3FB0]  }
0x2a: {  	p0 =	seq.s32 s5, $0x0;
	s5 =	sld [smem:$0x3FB1]  }
0x2b: {  	s6 =	sld [smem:$0x3FB2]  }
0x2c: {  	s7 =	sld [smem:$0x3FB3]  }
0x2d: {  	s3 =	simm.s32 $0x108;
	s8 =	sld [smem:$0x3FB4]  }
0x2e: {  	s3 =	simm.s32 @!p0 $0x1082;
	s9 =	sld [smem:$0x3FB5]  }
0x2f: {  	lr =	sadd.s32 s0, s3;
	s0 =	sld [smem:$0x3FAC]  }
0x30: {  	s3 =	sld [smem:$0x3FAF]  }
0x31: {  	[smem:$0x3FB8] =	sst s10  }
0x32: {  	s10 =	sld [smem:$0x3FB6];
	_ =	sdelay $0x3  }
0x33: {  	p0 =	seq.s32 s10, $0x1;
	s10 =	sld [smem:$0x3FB8];
	_ =	sdelay $0x3  }
0x34: {  	[smem:$0x3FB8] =	sst s10  }
0x35: {  	s10 =	sld [smem:$0x3FB7];
	_ =	sdelay $0x3  }
0x36: {  	p1 =	seq.s32 s10, $0x1;
	s10 =	sld [smem:$0x3FB8];
	_ =	sdelay $0x3  }
0x37: {  	[smem:$0x3FB8] =	sst s10  }
0x38: {  	s10 =	sld [smem:$0x3FB9]  }
0x39: {  	_ = 	snop;
	(pc) =	sbr.ind lr, $3  }
0x3a: {  	_ = 	snop  }
0x3b: {  	_ = 	snop  }
0x3c: {  	p2 =	seq.s32 s10, $0x1;
	s10 =	sld [smem:$0x3FB8]  }
0x3d: {  	_ =	shalt  }
0x3e: {  	_ =	shalt  }
0x3f: {  	_ =	shalt  }
0x40: {  	_ =	shalt  }
0x41: {  	_ =	shalt  }
0x42: {  	_ =	shalt  }
0x43: {  	_ =	shalt  }
0x44: {  	_ =	shalt  }
0x45: {  	_ =	shalt  }
0x46: {  	_ =	shalt  }
0x47: {  	_ =	shalt  }
0x48: {  	_ =	shalt  }
0x49: {  	_ =	shalt  }
0x4a: {  	_ =	shalt  }
0x4b: {  	_ =	shalt  }
0x4c: {  	_ =	shalt  }
0x4d: {  	_ =	shalt  }
0x4e: {  	_ =	shalt  }
0x4f: {  	_ =	shalt  }
0x50: {  	_ =	shalt  }
0x51: {  	_ =	shalt  }
0x52: {  	_ =	shalt  }
0x53: {  	_ =	shalt  }
0x54: {  	_ =	shalt  }
0x55: {  	_ =	shalt  }
0x56: {  	_ =	shalt  }
0x57: {  	_ =	shalt  }
0x58: {  	_ =	shalt  }
0x59: {  	_ =	shalt  }
0x5a: {  	_ =	shalt  }
0x5b: {  	_ =	shalt  }
0x5c: {  	_ =	shalt  }
0x5d: {  	_ =	shalt  }
0x5e: {  	_ =	shalt  }
0x5f: {  	_ =	shalt  }
0x60: {  	_ =	shalt  }
0x61: {  	_ =	shalt  }
0x62: {  	_ =	shalt  }
0x63: {  	_ =	shalt  }
0x64: {  	_ =	shalt  }
0x65: {  	_ =	shalt  }
0x66: {  	_ =	shalt  }
0x67: {  	_ =	shalt  }
0x68: {  	_ =	shalt  }
0x69: {  	_ =	shalt  }
0x6a: {  	_ =	shalt  }
0x6b: {  	_ =	shalt  }
0x6c: {  	_ =	shalt  }
0x6d: {  	_ =	shalt  }
0x6e: {  	_ =	shalt  }
0x6f: {  	_ =	shalt  }
0x70: {  	_ =	shalt  }
0x71: {  	_ =	shalt  }
0x72: {  	_ =	shalt  }
0x73: {  	_ =	shalt  }
0x74: {  	_ =	shalt  }
0x75: {  	_ =	shalt  }
0x76: {  	_ =	shalt  }
0x77: {  	_ =	shalt  }
0x78: {  	_ =	shalt  }
0x79: {  	_ =	shalt  }
0x7a: {  	_ =	shalt  }
0x7b: {  	_ =	shalt  }
0x7c: {  	_ =	shalt  }
0x7d: {  	_ =	shalt  }
0x7e: {  	_ =	shalt  }
0x7f: {  	_ =	shalt  }
0x80: {  	_ =	shalt  }
0x81: {  	_ =	shalt  }
0x82: {  	_ =	shalt  }
0x83: {  	_ =	shalt  }
0x84: {  	_ =	shalt  }
0x85: {  	_ =	shalt  }
0x86: {  	_ =	shalt  }
0x87: {  	_ =	shalt  }
.Lfunc_end0:
.L_simem_size_0:
called_computation_lowered:
.L_overlay_start_0:
0x88: {  	s2 =	sld [smem:$0x3FD9]  }
0x89: {  	s3 =	sld [smem:$0x3FFE];
	_ =	sdelay $0x1  }
0x8a: {  	s1 =	srdreg.scid  }
0x8b: {  	s0 =	sand.u32 $0x1, s1  }
0x8c: {  	s17 =	sshll.u32 s0, $0xA;
	s2 =	sadd.s32 s3, s2  }
0x8d: {  	s2 =	sadd.s32 s2, s17  }
0x8e: {  	[smem:$0x3FC4] =	sst s2  }
0x8f: {  	_ = 	snop  }
0x90: {  	s2 =	sld [smem:$0x3FC8];
	(tm) =	ssettm $0x1  }
0x91: {  	s18 =	sld [smem:$0x3FFB];
	_ =	sdelay $0x3  }
0x92: {  	_ =	strace s18  }
0x93: {  	s3 =	sld [smem:$0x3FFC];
	_ =	sdelay $0x3  }
0x94: {  	_ =	strace s3  }
0x95: {  	s3 =	sld [smem:$0x3FFD];
	_ =	sdelay $0x3  }
0x96: {  	_ =	strace s3  }
0x97: {  	_ =	strace $0x8FFFFFFF  }
0x98: {  	s19 =	sld [smem:$0x3FDB];
	_ =	sdelay $0x1  }
0x99: {  	s4 =	simm.s32 $_scs_section_size  }
0x9a: {  	s5 =	simm.s32 $_size__tile_overlayer_lowered;
	s6 =	simm.s32 $_tile_overlayer_lowered  }
0x9b: {  	s22 =	simm.s32 $0x1BFF;
	s21 =	sshll.u32 s6, $0x1;
	s3 =	sadd.s32 s4, s19  }
0x9c: {  	s7 =	simm.s32 $0x0;
	s20 =	sshll.u32 s5, $0x1;
	s5 =	sadd.s32 s21, s3  }
0x9d: {  	[timem:s7], [sflag:s22] =	dma.local [hbm:s5], s20  }
0x9e: {  	_ =	swait.ge [sflag:s22], s20  }
0x9f: {  	s4 =	ssub.s32 $0x0, s20;
	[sflag:s22] =	ssyncset.done $0x0  }
0xa0: {  	[sflag:s22] =	ssyncadd.s32 s4;
	_ =	sdelay $0x1  }
0xa1: {  	s23 =	simm.s32 $0x1B8B  }
0xa2: {  	_ =	swait.ge [sflag:s23], $0x1  }
0xa3: {  	[sflag:s23] =	ssyncset.done $0x0  }
0xa4: {  	s25 =	simm.s32 $0x1B8E;
	s24 =	sld [smem:$0x3FFE];
	[sflag:s23] =	ssyncadd.s32 $0xFFFFFFFF  }
0xa5: {  	s26 =	simm.s32 $execute0_lowered;
	[smem:$0x3FD2] =	sst s25  }
0xa6: {  	s5 =	sshll.u32 s26, $0x1;
	_ =	strace $0x80000046;
	[dreg:$0x1] =	wrdreg $0xFFFFFFFF  }
0xa7: {  	s28 =	simm.s32 $_size_execute0_lowered;
	s3 =	sadd.s32 s3, s5;
	[dreg:$0x0] =	wrdreg $0x0  }
0xa8: {  	s5 =	sshll.u32 s28, $0x1;
	[dreg:$0x2] =	wrdreg s3  }
0xa9: {  	[dreg:$0x3] =	wrdreg s5  }
0xaa: {  	[dreg:$0x4] =	wrdreg $0xC0  }
0xab: {  	_ =	task [dreg:s7], $0x5FFFF  }
0xac: {  	[dreg:$0x1] =	wrdreg $0xFFFFFFFF  }
0xad: {  	[dreg:$0x0] =	wrdreg $0x60  }
0xae: {  	[dreg:$0x2] =	wrdreg s24  }
0xaf: {  	[dreg:$0x3] =	wrdreg s2  }
0xb0: {  	[dreg:$0x4] =	wrdreg $0x9  }
0xb1: {  	_ =	task.clear_ibuf [dreg:s7], $0x5FFFF;
	_ =	strace $0x90000046  }
0xb2: {  	s29 =	simm.s32 $0x9;
	_ =	strace $0x80000048  }
0xb3: {  	_ =	swait.ge [sflag:s29], $0x1  }
0xb4: {  	[sflag:s29] =	ssyncadd.s32 $0xFFFFFFFF  }
0xb5: {  	_ =	strace $0x90000048  }
0xb6: {  	_ =	sfence  }
0xb7: {  	s30 =	sld [smem:$0x0];
	_ =	sdelay $0x2  }
0xb8: {  	s31 =	sshll.u32 s1, $0xD;
	s1 =	sshrl.u32 s1, $0x2  }
0xb9: {  	s3 =	sand.u32 $0x4000, s31;
	s1 =	sadd.s32 s1, s30  }
0xba: {  	s0 =	sor.u32 s3, s0;
	s1 =	sshll.u32 s1, $0x11  }
0xbb: {  	s0 =	sor.u32 s1, s0  }
0xbc: {  	s0 =	sadd.s32 $0x8F2B, s0  }
0xbd: {  	[sflag:s0] =	ssyncadd.remote.s32 $0x1  }
0xbe: {  	_ =	sfence.sel $0xFFFF  }
0xbf: {  	[dreg:$0x0] =	wrdreg $0xFFFFFFFF;
	(pc) =	sbr.abs _section_cstart, $3  }
0xc0: {  	[dreg:$0x1] =	wrdreg $0xFFFFFFFF  }
0xc1: {  	_ =	task.clear_ibuf [dreg:s7], $0x2FFFF;
	_ =	strace $0x9FFFFFFF  }
0xc2: {  	(tm) =	ssettm $0x7FFFFFFF  }
0xc3: {  	_ =	shalt  }
tec
execute0_lowered:
.L_overlay_start_1:
0x0: {  	(tag) =	ssettag $0x1  }
0x1: {  	s0 =	rddreg [dreg:$0x0]  }
0x2: {  	s1 =	srdreg.scid;
	s3 =	stileid.u32  }
0x3: {  	s2 =	rddreg [dreg:$0x1];
	s9 =	simm.s32 $0x7;
	s11 =	simm.s32 $0x60  }
0x4: {  	s13 =	simm.s32 $0x68;
	s20 =	simm.s32 $0x12C00;
	s21 =	simm.s32 $0x1F0  }
0x5: {  	s22 =	simm.s32 $0x15C00;
	s23 =	simm.s32 $0x258;
	s24 =	simm.s32 $0x19000  }
0x6: {  	s28 =	simm.s32 $0x6;
	s29 =	simm.s32 $0x1;
	s30 =	simm.s32 $0x2  }
0x7: {  	s31 =	simm.s32 $0x3;
	s1 =	sand.u32 $0x1, s1;
	s4 =	sshll.u32 s3, $0x1  }
0x8: {  	s10 =	simm.s32 $0x0;
	s3 =	simm.s32 $0x0;
	s7 =	sor.u32 s1, s4  }
0x9: {  	[smem:$0x7FF] =	sst s3;
	s1 =	ssub.s32 $0x2, s1;
	s4 =	smul.u32 $0xC80, s7  }
.Ltmp0:
0xa: {  	s5 =	sshrl.u32 s1, $0x1;
	s26 =	sshll.u32 s7, $0xE;
	(pc) =	sbr.rel .LBB2_1-.Ltmp0, $4  }
0xb: {  	_ =	strace $0x80000047;
	s25 =	ssub.s32 s1, s5;
	s7 =	sadd.s32 $0xFFFFFC80, s26  }
0xc: {  	s26 =	simm.s32 $0x1C000;
	s1 =	simm.s32 $0x4;
	s6 =	sadd.s32 s4, s0  }
0xd: {  	s4 =	sadd.s32 $0x19A00, s0;
	s8 =	smax.u32 s25, $0x1;
	s25 =	simm.s32 $0x2B8  }
0xe: {  	s0 =	simm.s32 $0x5;
	s5 =	sadd.s32 $0xA00, s6;
	s6 =	sadd.s32 $0xA64, s6  }
.LBB2_12:
0xf: {  	s10 =	sadd.s32 $0x1, s10  }
0x10: {  	p0 =	sne.s32 s10, s8  }
.Ltmp1:
0x11: {  	_ = 	snop;
	(pc) =	sbr.rel @!p0 .LBB2_13-.Ltmp1, $4  }
0x12: {  	_ = 	snop  }
0x13: {  	_ =	swait.ge [sflag:s0], $0x400  }
0x14: {  	[sflag:s0] =	ssyncset.done $0x0  }
0x15: {  	[sflag:s0] =	ssyncadd.s32 $0xFFFFFC00  }
.LBB2_1:
0x16: {  	[tilespmem:s3], [sflag:$0x7] =	stream.linear.gather [hbm4b:s5+s3], $0x320, $0x38;
	[tilespmem:$0x1F800] =	vst v63  }
0x17: {  	_ =	swait.ge [sflag:s9], $0x320  }
0x18: {  	[sflag:s9] =	ssyncset.done $0x0  }
0x19: {  	s12 =	simm.s32 $0x320;
	[sflag:s9] =	ssyncadd.s32 $0xFFFFFCE0  }
0x1a: {  	[tilespmem:s12], [sflag:$0x6] =	stream.linear.gather [hbm4b:s6+s3], $0x60E0, $0x38;
	[tilespmem:$0x1F800] =	vst v63  }
0x1b: {  	s14 =	simm.s32 $0x6400  }
0x1c: {  	[tilespmem:s14], [sflag:$0x1] =	stream.indirect.gather [hbm4b:s2+s11], $0x80, s3, s11, $0xb8;
	[tilespmem:$0x1F800] =	vst v63  }
0x1d: {  	s15 =	simm.s32 $0x9400  }
0x1e: {  	[tilespmem:s15], [sflag:$0x1] =	stream.indirect.gather [hbm4b:s2+s13], $0x80, s11, s13, $0xb8;
	[tilespmem:$0x1F800] =	vst v63  }
0x1f: {  	s16 =	simm.s32 $0xC8;
	s14 =	simm.s32 $0xC800  }
0x20: {  	[tilespmem:s14], [sflag:$0x2] =	stream.indirect.gather [hbm4b:s2+s11], $0x80, s16, s11, $0xb8;
	[tilespmem:$0x1F800] =	vst v63  }
0x21: {  	s17 =	simm.s32 $0x128;
	s18 =	simm.s32 $0xF800  }
0x22: {  	[tilespmem:s18], [sflag:$0x2] =	stream.indirect.gather [hbm4b:s2+s13], $0x80, s17, s13, $0xb8;
	[tilespmem:$0x1F800] =	vst v63  }
0x23: {  	s19 =	simm.s32 $0x190  }
0x24: {  	[tilespmem:s20], [sflag:$0x3] =	stream.indirect.gather [hbm4b:s2+s11], $0x80, s19, s11, $0xb8;
	[tilespmem:$0x1F800] =	vst v63  }
0x25: {  	_ = 	snop  }
0x26: {  	[tilespmem:s22], [sflag:$0x3] =	stream.indirect.gather [hbm4b:s2+s13], $0x80, s21, s13, $0xb8;
	[tilespmem:$0x1F800] =	vst v63  }
0x27: {  	_ = 	snop  }
0x28: {  	[tilespmem:s24], [sflag:$0x4] =	stream.indirect.gather [hbm4b:s2+s11], $0x80, s23, s11, $0xb8;
	[tilespmem:$0x1F800] =	vst v63  }
0x29: {  	_ = 	snop  }
0x2a: {  	[tilespmem:s26], [sflag:$0x4] =	stream.indirect.gather [hbm4b:s2+s13], $0x80, s25, s13, $0xb8;
	[tilespmem:$0x1F800] =	vst v63  }
0x2b: {  	_ =	swait.ge [sflag:s28], $0x60E0  }
0x2c: {  	[sflag:s28] =	ssyncset.done $0x0  }
0x2d: {  	s12 =	simm.s32 $0x0;
	[sflag:s28] =	ssyncadd.s32 $0xFFFF9F20  }
.LBB2_2:
0x2e: {  	_ =	swait.ge [sflag:s29], $0x3000  }
0x2f: {  	[sflag:s29] =	ssyncset.done $0x0  }
0x30: {  	[sflag:s29] =	ssyncadd.s32 $0xFFFFD000  }
0x31: {  	_ =	swait.ge [sflag:s29], $0x3400  }
0x32: {  	[sflag:s29] =	ssyncset.done $0x0  }
0x33: {  	s15 =	simm.s32 $0x40;
	[sflag:s29] =	ssyncadd.s32 $0xFFFFCC00  }
0x34: {  	v4 =	vld [tilespmem:s15+$0x95C0]  }
0x35: {  	v5 =	vld [tilespmem:s15+$0x95D0]  }
0x36: {  	v2 =	vld [tilespmem:s15+$0x95E0]  }
0x37: {  	v3 =	vld [tilespmem:s15+$0x95F0]  }
0x38: {  	v0 =	vld [tilespmem:s15+$0x9600]  }
0x39: {  	v1 =	vld [tilespmem:s15+$0x9610]  }
0x3a: {  	v20 =	vld [tilespmem:s15+$0x63C0]  }
0x3b: {  	v19 =	vld [tilespmem:s15+$0x63D0]  }
0x3c: {  	v18 =	vld [tilespmem:s15+$0x63E0]  }
0x3d: {  	v17 =	vld [tilespmem:s15+$0x63F0]  }
0x3e: {  	v12 =	vimm.f32 $0.0e+00;
	v11 =	vimm.f32 $0.0e+00;
	v16 =	vld [tilespmem:s15+$0x6400]  }
0x3f: {  	v13 =	vimm.f32 $0.0e+00;
	v10 =	vimm.f32 $0.0e+00;
	v9 =	vimm.f32 $0.0e+00;
	v15 =	vld [tilespmem:s15+$0x6410]  }
0x40: {  	s14 =	simm.s32 $0x300;
	v8 =	vimm.f32 $0.0e+00;
	v7 =	vimm.f32 $0.0e+00;
	v6 =	vimm.f32 $0.0e+00;
	v14 =	vld [tilespmem:s15+$0x6420]  }
.LBB2_3:
0x41: {  	p0 =	sne.s32 s14, $0xC700;
	v12 =	vadd.f32 v20, v12;
	v11 =	vadd.f32 v19, v11;
	v19 =	vld [tilespmem:s15+$0x6430]  }
0x42: {  	v13 =	vadd.f32 v18, v13;
	v10 =	vadd.f32 v17, v10;
	v17 =	vld [tilespmem:s15+$0x9620]  }
0x43: {  	v12 =	vadd.f32 v4, v12;
	v11 =	vadd.f32 v5, v11;
	v18 =	vld [tilespmem:s15+$0x9630];
	s15 =	sshra.s32 s14, $0x2  }
0x44: {  	v13 =	vadd.f32 v2, v13;
	v4 =	vld [tilespmem:s15+$0x95C0];
	v10 =	vadd.f32 v3, v10  }
0x45: {  	v9 =	vadd.f32 v16, v9;
	v8 =	vadd.f32 v15, v8;
	v5 =	vld [tilespmem:s15+$0x95D0]  }
0x46: {  	v7 =	vadd.f32 v14, v7;
	v2 =	vld [tilespmem:s15+$0x95E0];
	v6 =	vadd.f32 v19, v6  }
0x47: {  	v9 =	vadd.f32 v0, v9;
	v8 =	vadd.f32 v1, v8;
	v3 =	vld [tilespmem:s15+$0x95F0]  }
0x48: {  	v7 =	vadd.f32 v17, v7;
	v0 =	vld [tilespmem:s15+$0x9600];
	v6 =	vadd.f32 v18, v6  }
0x49: {  	v1 =	vld [tilespmem:s15+$0x9610]  }
0x4a: {  	v20 =	vld [tilespmem:s15+$0x63C0]  }
0x4b: {  	v19 =	vld [tilespmem:s15+$0x63D0]  }
.Ltmp2:
0x4c: {  	v18 =	vld [tilespmem:s15+$0x63E0];
	(pc) =	sbr.rel @p0 .LBB2_3-.Ltmp2, $4  }
0x4d: {  	v17 =	vld [tilespmem:s15+$0x63F0]  }
0x4e: {  	v16 =	vld [tilespmem:s15+$0x6400]  }
0x4f: {  	v15 =	vld [tilespmem:s15+$0x6410]  }
0x50: {  	s14 =	sadd.s32 $0x200, s14;
	v14 =	vld [tilespmem:s15+$0x6420]  }
0x51: {  	s14 =	sshll.u32 s12, $0x2  }
0x52: {  	p0 =	slt.u32 s12, $0x2;
	s16 =	sand.u32 $0x4, s14  }
0x53: {  	v12 =	vadd.f32 v20, v12;
	v20 =	vld [tilespmem:s15+$0x6430];
	p1 =	sne.s32 @!p0 s16, $0x0  }
0x54: {  	v11 =	vadd.f32 v19, v11;
	v19 =	vld [tilespmem:s15+$0x9620];
	p0 =	por p1, p0  }
0x55: {  	v13 =	vadd.f32 v18, v13;
	v4 =	vadd.f32 v4, v12;
	v12 =	vld [tilespmem:s15+$0x9630];
	s15 =	simm.s32 @!p0 $0x5  }
0x56: {  	v10 =	vadd.f32 v17, v10;
	v5 =	vadd.f32 v5, v11;
	_ =	swait.ge @!p0 [sflag:s15], $0x400  }
0x57: {  	v2 =	vadd.f32 v2, v13;
	v9 =	vadd.f32 v16, v9;
	v4 =	vmul.f32 $4.999999890e-03, v4;
	[sflag:s15] =	ssyncset.done @!p0 $0x0  }
0x58: {  	s16 =	sshll.u32 s16, $0x7;
	v3 =	vadd.f32 v3, v10;
	v8 =	vadd.f32 v15, v8;
	v5 =	vmul.f32 $4.999999890e-03, v5;
	[sflag:s15] =	ssyncadd.s32 @!p0 $0xFFFFFC00  }
0x59: {  	v7 =	vadd.f32 v14, v7;
	v0 =	vadd.f32 v0, v9;
	v2 =	vmul.f32 $4.999999890e-03, v2;
	[tilespmem:s16+$0x1F400] =	vst v4  }
0x5a: {  	v1 =	vadd.f32 v1, v8;
	v3 =	vmul.f32 $4.999999890e-03, v3;
	v4 =	vadd.f32 v20, v6;
	[tilespmem:s16+$0x1F410] =	vst v5  }
0x5b: {  	v0 =	vmul.f32 $4.999999890e-03, v0;
	v5 =	vadd.f32 v19, v7;
	[tilespmem:s16+$0x1F420] =	vst v2  }
0x5c: {  	v1 =	vmul.f32 $4.999999890e-03, v1;
	p0 =	seq.s32 s12, $0x1F;
	[tilespmem:s16+$0x1F430] =	vst v3;
	v2 =	vadd.f32 v12, v4  }
0x5d: {  	[tilespmem:s16+$0x1F440] =	vst v0;
	s15 =	smul.u32 @!p0 $0xC80, s12;
	v0 =	vmul.f32 $4.999999890e-03, v5  }
0x5e: {  	[tilespmem:s16+$0x1F450] =	vst v1;
	v1 =	vmul.f32 $4.999999890e-03, v2  }
0x5f: {  	s15 =	sshra.s32 @!p0 s15, $0x2;
	[tilespmem:s16+$0x1F460] =	vst v0  }
0x60: {  	s17 =	simm.s32 @!p0 $0x60;
	s18 =	simm.s32 @!p0 $0x6400;
	[tilespmem:s16+$0x1F470] =	vst v1;
	s16 =	sadd.s32 @!p0 $0x320, s15  }
0x61: {  	[tilespmem:s18], [sflag:$0x1] =	stream.indirect.gather @!p0 [hbm4b:s2+s17], $0x80, s16, s17, $0xb8;
	[tilespmem:$0x1F800] =	vst v63  }
0x62: {  	s16 =	sadd.s32 @!p0 $0x380, s15;
	s17 =	simm.s32 @!p0 $0x68;
	s18 =	simm.s32 @!p0 $0x9400  }
0x63: {  	[tilespmem:s18], [sflag:$0x1] =	stream.indirect.gather @!p0 [hbm4b:s2+s17], $0x80, s16, s17, $0xb8;
	[tilespmem:$0x1F800] =	vst v63  }
0x64: {  	_ =	swait.ge [sflag:s30], $0x3000  }
0x65: {  	[sflag:s30] =	ssyncset.done $0x0  }
0x66: {  	[sflag:s30] =	ssyncadd.s32 $0xFFFFD000  }
0x67: {  	_ =	swait.ge [sflag:s30], $0x3400  }
0x68: {  	[sflag:s30] =	ssyncset.done $0x0  }
0x69: {  	s16 =	simm.s32 $0x40;
	[sflag:s30] =	ssyncadd.s32 $0xFFFFCC00  }
0x6a: {  	v4 =	vld [tilespmem:s16+$0xF9C0]  }
0x6b: {  	v5 =	vld [tilespmem:s16+$0xF9D0]  }
0x6c: {  	v2 =	vld [tilespmem:s16+$0xF9E0]  }
0x6d: {  	v3 =	vld [tilespmem:s16+$0xF9F0]  }
0x6e: {  	v0 =	vld [tilespmem:s16+$0xFA00]  }
0x6f: {  	v1 =	vld [tilespmem:s16+$0xFA10]  }
0x70: {  	v19 =	vld [tilespmem:s16+$0xC7C0]  }
0x71: {  	v20 =	vld [tilespmem:s16+$0xC7D0]  }
0x72: {  	v17 =	vld [tilespmem:s16+$0xC7E0]  }
0x73: {  	v18 =	vld [tilespmem:s16+$0xC7F0]  }
0x74: {  	v11 =	vimm.f32 $0.0e+00;
	v13 =	vimm.f32 $0.0e+00;
	v16 =	vld [tilespmem:s16+$0xC800]  }
0x75: {  	v10 =	vimm.f32 $0.0e+00;
	v9 =	vimm.f32 $0.0e+00;
	v8 =	vimm.f32 $0.0e+00;
	v14 =	vld [tilespmem:s16+$0xC810]  }
0x76: {  	v7 =	vimm.f32 $0.0e+00;
	v6 =	vimm.f32 $0.0e+00;
	v12 =	vimm.f32 $0.0e+00;
	s17 =	simm.s32 $0x300;
	v15 =	vld [tilespmem:s16+$0xC820]  }
.LBB2_5:
0x77: {  	p1 =	sne.s32 s17, $0xC700;
	v10 =	vadd.f32 v19, v10;
	v11 =	vadd.f32 v20, v11;
	v19 =	vld [tilespmem:s16+$0xC830]  }
0x78: {  	v13 =	vadd.f32 v17, v13;
	v12 =	vadd.f32 v18, v12;
	v17 =	vld [tilespmem:s16+$0xFA20]  }
0x79: {  	v10 =	vadd.f32 v4, v10;
	v11 =	vadd.f32 v5, v11;
	v18 =	vld [tilespmem:s16+$0xFA30];
	s16 =	sshra.s32 s17, $0x2  }
0x7a: {  	v13 =	vadd.f32 v2, v13;
	v4 =	vld [tilespmem:s16+$0xF9C0];
	v12 =	vadd.f32 v3, v12  }
0x7b: {  	v9 =	vadd.f32 v16, v9;
	v8 =	vadd.f32 v14, v8;
	v5 =	vld [tilespmem:s16+$0xF9D0]  }
0x7c: {  	v7 =	vadd.f32 v15, v7;
	v2 =	vld [tilespmem:s16+$0xF9E0];
	v6 =	vadd.f32 v19, v6  }
0x7d: {  	v9 =	vadd.f32 v0, v9;
	v8 =	vadd.f32 v1, v8;
	v3 =	vld [tilespmem:s16+$0xF9F0]  }
0x7e: {  	v7 =	vadd.f32 v17, v7;
	v0 =	vld [tilespmem:s16+$0xFA00];
	v6 =	vadd.f32 v18, v6  }
0x7f: {  	v1 =	vld [tilespmem:s16+$0xFA10]  }
0x80: {  	v19 =	vld [tilespmem:s16+$0xC7C0]  }
0x81: {  	v20 =	vld [tilespmem:s16+$0xC7D0]  }
.Ltmp3:
0x82: {  	v17 =	vld [tilespmem:s16+$0xC7E0];
	(pc) =	sbr.rel @p1 .LBB2_5-.Ltmp3, $4  }
0x83: {  	v18 =	vld [tilespmem:s16+$0xC7F0]  }
0x84: {  	v16 =	vld [tilespmem:s16+$0xC800]  }
0x85: {  	v14 =	vld [tilespmem:s16+$0xC810]  }
0x86: {  	s17 =	sadd.s32 $0x200, s17;
	v15 =	vld [tilespmem:s16+$0xC820]  }
0x87: {  	v10 =	vadd.f32 v19, v10  }
0x88: {  	v11 =	vadd.f32 v20, v11  }
0x89: {  	v19 =	vld [tilespmem:s16+$0xC830];
	v13 =	vadd.f32 v17, v13;
	v4 =	vadd.f32 v4, v10  }
0x8a: {  	v10 =	vadd.f32 v18, v12;
	v12 =	vld [tilespmem:s16+$0xFA20];
	v5 =	vadd.f32 v5, v11  }
0x8b: {  	s19 =	sshll.u32 s12, $0x9;
	v11 =	vld [tilespmem:s16+$0xFA30];
	v2 =	vadd.f32 v2, v13;
	v9 =	vadd.f32 v16, v9;
	v4 =	vmul.f32 $4.999999890e-03, v4  }
0x8c: {  	s16 =	sand.u32 $0x200, s19;
	v8 =	vadd.f32 v14, v8;
	v3 =	vadd.f32 v3, v10;
	v5 =	vmul.f32 $4.999999890e-03, v5  }
0x8d: {  	v7 =	vadd.f32 v15, v7;
	v0 =	vadd.f32 v0, v9;
	v2 =	vmul.f32 $4.999999890e-03, v2;
	[tilespmem:s16+$0x1F480] =	vst v4  }
0x8e: {  	v1 =	vadd.f32 v1, v8;
	v4 =	vadd.f32 v19, v6;
	[tilespmem:s16+$0x1F490] =	vst v5;
	v3 =	vmul.f32 $4.999999890e-03, v3  }
0x8f: {  	[tilespmem:s16+$0x1F4A0] =	vst v2;
	v0 =	vmul.f32 $4.999999890e-03, v0;
	v5 =	vadd.f32 v12, v7  }
0x90: {  	v1 =	vmul.f32 $4.999999890e-03, v1;
	v2 =	vadd.f32 v11, v4;
	[tilespmem:s16+$0x1F4B0] =	vst v3  }
0x91: {  	[tilespmem:s16+$0x1F4C0] =	vst v0;
	v0 =	vmul.f32 $4.999999890e-03, v5  }
0x92: {  	[tilespmem:s16+$0x1F4D0] =	vst v1;
	v1 =	vmul.f32 $4.999999890e-03, v2  }
0x93: {  	[tilespmem:s16+$0x1F4E0] =	vst v0  }
0x94: {  	s17 =	sadd.s32 @!p0 $0x3E8, s15;
	s18 =	simm.s32 @!p0 $0x60;
	s19 =	simm.s32 @!p0 $0xC800;
	[tilespmem:s16+$0x1F4F0] =	vst v1  }
0x95: {  	[tilespmem:s19], [sflag:$0x2] =	stream.indirect.gather @!p0 [hbm4b:s2+s18], $0x80, s17, s18, $0xb8;
	[tilespmem:$0x1F800] =	vst v63  }
0x96: {  	s17 =	sadd.s32 @!p0 $0x448, s15;
	s18 =	simm.s32 @!p0 $0x68;
	s19 =	simm.s32 @!p0 $0xF800  }
0x97: {  	[tilespmem:s19], [sflag:$0x2] =	stream.indirect.gather @!p0 [hbm4b:s2+s18], $0x80, s17, s18, $0xb8;
	[tilespmem:$0x1F800] =	vst v63  }
0x98: {  	_ =	swait.ge [sflag:s31], $0x3000  }
0x99: {  	[sflag:s31] =	ssyncset.done $0x0  }
0x9a: {  	[sflag:s31] =	ssyncadd.s32 $0xFFFFD000  }
0x9b: {  	_ =	swait.ge [sflag:s31], $0x3400  }
0x9c: {  	[sflag:s31] =	ssyncset.done $0x0  }
0x9d: {  	s17 =	simm.s32 $0x40;
	[sflag:s31] =	ssyncadd.s32 $0xFFFFCC00  }
0x9e: {  	v3 =	vld [tilespmem:s17+$0x15DC0]  }
0x9f: {  	v5 =	vld [tilespmem:s17+$0x15DD0]  }
0xa0: {  	v2 =	vld [tilespmem:s17+$0x15DE0]  }
0xa1: {  	v4 =	vld [tilespmem:s17+$0x15DF0]  }
0xa2: {  	v0 =	vld [tilespmem:s17+$0x15E00]  }
0xa3: {  	v1 =	vld [tilespmem:s17+$0x15E10]  }
0xa4: {  	v19 =	vld [tilespmem:s17+$0x12BC0]  }
0xa5: {  	v20 =	vld [tilespmem:s17+$0x12BD0]  }
0xa6: {  	v17 =	vld [tilespmem:s17+$0x12BE0]  }
0xa7: {  	v18 =	vld [tilespmem:s17+$0x12BF0]  }
0xa8: {  	v13 =	vimm.f32 $0.0e+00;
	v10 =	vimm.f32 $0.0e+00;
	v14 =	vld [tilespmem:s17+$0x12C00]  }
0xa9: {  	v9 =	vimm.f32 $0.0e+00;
	v8 =	vimm.f32 $0.0e+00;
	v6 =	vimm.f32 $0.0e+00;
	v15 =	vld [tilespmem:s17+$0x12C10]  }
0xaa: {  	v12 =	vimm.f32 $0.0e+00;
	v7 =	vimm.f32 $0.0e+00;
	v11 =	vimm.f32 $0.0e+00;
	s18 =	simm.s32 $0x300;
	v16 =	vld [tilespmem:s17+$0x12C20]  }
.LBB2_7:
0xab: {  	p1 =	sne.s32 s18, $0xC700;
	v10 =	vadd.f32 v19, v10;
	v11 =	vadd.f32 v20, v11;
	v19 =	vld [tilespmem:s17+$0x12C30]  }
0xac: {  	v13 =	vadd.f32 v17, v13;
	v12 =	vadd.f32 v18, v12;
	v17 =	vld [tilespmem:s17+$0x15E20]  }
0xad: {  	v10 =	vadd.f32 v3, v10;
	v11 =	vadd.f32 v5, v11;
	v18 =	vld [tilespmem:s17+$0x15E30];
	s17 =	sshra.s32 s18, $0x2  }
0xae: {  	v13 =	vadd.f32 v2, v13;
	v3 =	vld [tilespmem:s17+$0x15DC0];
	v12 =	vadd.f32 v4, v12  }
0xaf: {  	v8 =	vadd.f32 v14, v8;
	v9 =	vadd.f32 v15, v9;
	v5 =	vld [tilespmem:s17+$0x15DD0]  }
0xb0: {  	v7 =	vadd.f32 v16, v7;
	v2 =	vld [tilespmem:s17+$0x15DE0];
	v6 =	vadd.f32 v19, v6  }
0xb1: {  	v8 =	vadd.f32 v0, v8;
	v9 =	vadd.f32 v1, v9;
	v4 =	vld [tilespmem:s17+$0x15DF0]  }
0xb2: {  	v7 =	vadd.f32 v17, v7;
	v0 =	vld [tilespmem:s17+$0x15E00];
	v6 =	vadd.f32 v18, v6  }
0xb3: {  	v1 =	vld [tilespmem:s17+$0x15E10]  }
0xb4: {  	v19 =	vld [tilespmem:s17+$0x12BC0]  }
0xb5: {  	v20 =	vld [tilespmem:s17+$0x12BD0]  }
.Ltmp4:
0xb6: {  	v17 =	vld [tilespmem:s17+$0x12BE0];
	(pc) =	sbr.rel @p1 .LBB2_7-.Ltmp4, $4  }
0xb7: {  	v18 =	vld [tilespmem:s17+$0x12BF0]  }
0xb8: {  	v14 =	vld [tilespmem:s17+$0x12C00]  }
0xb9: {  	v15 =	vld [tilespmem:s17+$0x12C10]  }
0xba: {  	s18 =	sadd.s32 $0x200, s18;
	v16 =	vld [tilespmem:s17+$0x12C20]  }
0xbb: {  	v10 =	vadd.f32 v19, v10  }
0xbc: {  	v11 =	vadd.f32 v20, v11  }
0xbd: {  	v19 =	vld [tilespmem:s17+$0x12C30];
	v13 =	vadd.f32 v17, v13;
	v3 =	vadd.f32 v3, v10  }
0xbe: {  	v10 =	vadd.f32 v18, v12;
	v12 =	vld [tilespmem:s17+$0x15E20];
	v5 =	vadd.f32 v5, v11  }
0xbf: {  	v11 =	vld [tilespmem:s17+$0x15E30];
	v2 =	vadd.f32 v2, v13;
	v8 =	vadd.f32 v14, v8;
	v3 =	vmul.f32 $4.999999890e-03, v3  }
0xc0: {  	v9 =	vadd.f32 v15, v9;
	v4 =	vadd.f32 v4, v10;
	v5 =	vmul.f32 $4.999999890e-03, v5  }
0xc1: {  	v7 =	vadd.f32 v16, v7;
	v0 =	vadd.f32 v0, v8;
	v2 =	vmul.f32 $4.999999890e-03, v2;
	[tilespmem:s16+$0x1F500] =	vst v3  }
0xc2: {  	v1 =	vadd.f32 v1, v9;
	v3 =	vadd.f32 v19, v6;
	[tilespmem:s16+$0x1F510] =	vst v5;
	v4 =	vmul.f32 $4.999999890e-03, v4  }
0xc3: {  	[tilespmem:s16+$0x1F520] =	vst v2;
	v0 =	vmul.f32 $4.999999890e-03, v0;
	v5 =	vadd.f32 v12, v7  }
0xc4: {  	v1 =	vmul.f32 $4.999999890e-03, v1;
	v2 =	vadd.f32 v11, v3;
	[tilespmem:s16+$0x1F530] =	vst v4  }
0xc5: {  	[tilespmem:s16+$0x1F540] =	vst v0;
	v0 =	vmul.f32 $4.999999890e-03, v5  }
0xc6: {  	[tilespmem:s16+$0x1F550] =	vst v1;
	v1 =	vmul.f32 $4.999999890e-03, v2  }
0xc7: {  	[tilespmem:s16+$0x1F560] =	vst v0  }
0xc8: {  	s18 =	simm.s32 @!p0 $0x12C00;
	s17 =	simm.s32 @!p0 $0x60;
	[tilespmem:s16+$0x1F570] =	vst v1;
	s16 =	sadd.s32 @!p0 $0x4B0, s15  }
0xc9: {  	[tilespmem:s18], [sflag:$0x3] =	stream.indirect.gather @!p0 [hbm4b:s2+s17], $0x80, s16, s17, $0xb8;
	[tilespmem:$0x1F800] =	vst v63  }
0xca: {  	s15 =	sadd.s32 @!p0 $0x510, s15;
	s16 =	simm.s32 @!p0 $0x68;
	s17 =	simm.s32 @!p0 $0x15C00  }
0xcb: {  	[tilespmem:s17], [sflag:$0x3] =	stream.indirect.gather @!p0 [hbm4b:s2+s16], $0x80, s15, s16, $0xb8;
	[tilespmem:$0x1F800] =	vst v63  }
0xcc: {  	_ =	swait.ge [sflag:s1], $0x3000  }
0xcd: {  	[sflag:s1] =	ssyncset.done $0x0  }
0xce: {  	[sflag:s1] =	ssyncadd.s32 $0xFFFFD000  }
0xcf: {  	_ =	swait.ge [sflag:s1], $0x3400  }
0xd0: {  	[sflag:s1] =	ssyncset.done $0x0  }
0xd1: {  	s15 =	simm.s32 $0x40;
	[sflag:s1] =	ssyncadd.s32 $0xFFFFCC00  }
0xd2: {  	v4 =	vld [tilespmem:s15+$0x1C1C0]  }
0xd3: {  	v5 =	vld [tilespmem:s15+$0x1C1D0]  }
0xd4: {  	v2 =	vld [tilespmem:s15+$0x1C1E0]  }
0xd5: {  	v3 =	vld [tilespmem:s15+$0x1C1F0]  }
0xd6: {  	v0 =	vld [tilespmem:s15+$0x1C200]  }
0xd7: {  	v1 =	vld [tilespmem:s15+$0x1C210]  }
0xd8: {  	v19 =	vld [tilespmem:s15+$0x18FC0]  }
0xd9: {  	v20 =	vld [tilespmem:s15+$0x18FD0]  }
0xda: {  	v17 =	vld [tilespmem:s15+$0x18FE0]  }
0xdb: {  	v18 =	vld [tilespmem:s15+$0x18FF0]  }
0xdc: {  	v13 =	vimm.f32 $0.0e+00;
	v10 =	vimm.f32 $0.0e+00;
	v16 =	vld [tilespmem:s15+$0x19000]  }
0xdd: {  	v8 =	vimm.f32 $0.0e+00;
	v9 =	vimm.f32 $0.0e+00;
	v6 =	vimm.f32 $0.0e+00;
	v14 =	vld [tilespmem:s15+$0x19010]  }
0xde: {  	v12 =	vimm.f32 $0.0e+00;
	v7 =	vimm.f32 $0.0e+00;
	v11 =	vimm.f32 $0.0e+00;
	s16 =	simm.s32 $0x300;
	v15 =	vld [tilespmem:s15+$0x19020]  }
.LBB2_9:
0xdf: {  	p1 =	sne.s32 s16, $0xC700;
	v10 =	vadd.f32 v19, v10;
	v11 =	vadd.f32 v20, v11;
	v19 =	vld [tilespmem:s15+$0x19030]  }
0xe0: {  	v13 =	vadd.f32 v17, v13;
	v12 =	vadd.f32 v18, v12;
	v17 =	vld [tilespmem:s15+$0x1C220]  }
0xe1: {  	v10 =	vadd.f32 v4, v10;
	v11 =	vadd.f32 v5, v11;
	v18 =	vld [tilespmem:s15+$0x1C230];
	s15 =	sshra.s32 s16, $0x2  }
0xe2: {  	v13 =	vadd.f32 v2, v13;
	v4 =	vld [tilespmem:s15+$0x1C1C0];
	v12 =	vadd.f32 v3, v12  }
0xe3: {  	v9 =	vadd.f32 v16, v9;
	v8 =	vadd.f32 v14, v8;
	v5 =	vld [tilespmem:s15+$0x1C1D0]  }
0xe4: {  	v7 =	vadd.f32 v15, v7;
	v2 =	vld [tilespmem:s15+$0x1C1E0];
	v6 =	vadd.f32 v19, v6  }
0xe5: {  	v9 =	vadd.f32 v0, v9;
	v8 =	vadd.f32 v1, v8;
	v3 =	vld [tilespmem:s15+$0x1C1F0]  }
0xe6: {  	v7 =	vadd.f32 v17, v7;
	v0 =	vld [tilespmem:s15+$0x1C200];
	v6 =	vadd.f32 v18, v6  }
0xe7: {  	v1 =	vld [tilespmem:s15+$0x1C210]  }
0xe8: {  	v19 =	vld [tilespmem:s15+$0x18FC0]  }
0xe9: {  	v20 =	vld [tilespmem:s15+$0x18FD0]  }
.Ltmp5:
0xea: {  	v17 =	vld [tilespmem:s15+$0x18FE0];
	(pc) =	sbr.rel @p1 .LBB2_9-.Ltmp5, $4  }
0xeb: {  	v18 =	vld [tilespmem:s15+$0x18FF0]  }
0xec: {  	v16 =	vld [tilespmem:s15+$0x19000]  }
0xed: {  	v14 =	vld [tilespmem:s15+$0x19010]  }
0xee: {  	s16 =	sadd.s32 $0x200, s16;
	v15 =	vld [tilespmem:s15+$0x19020]  }
0xef: {  	v10 =	vadd.f32 v19, v10  }
0xf0: {  	v11 =	vadd.f32 v20, v11  }
0xf1: {  	v55 =	vld [tilespmem:s15+$0x19030];
	v13 =	vadd.f32 v17, v13;
	v4 =	vadd.f32 v4, v10  }
0xf2: {  	v57 =	vld [tilespmem:s15+$0x1C220];
	s14 =	sor.u32 $0x3, s14;
	v56 =	vadd.f32 v18, v12;
	v5 =	vadd.f32 v5, v11  }
0xf3: {  	v58 =	vld [tilespmem:s15+$0x1C230];
	s19 =	sand.u32 $0x7, s14;
	v2 =	vadd.f32 v2, v13;
	v9 =	vadd.f32 v16, v9;
	v4 =	vmul.f32 $4.999999890e-03, v4  }
0xf4: {  	s16 =	sshll.u32 s19, $0x7;
	v3 =	vadd.f32 v3, v56;
	v8 =	vadd.f32 v14, v8;
	v5 =	vmul.f32 $4.999999890e-03, v5  }
0xf5: {  	v7 =	vadd.f32 v15, v7;
	v0 =	vadd.f32 v0, v9;
	v2 =	vmul.f32 $4.999999890e-03, v2;
	[tilespmem:s16+$0x1F400] =	vst v4  }
0xf6: {  	v59 =	vadd.f32 v55, v6;
	v1 =	vadd.f32 v1, v8;
	v3 =	vmul.f32 $4.999999890e-03, v3;
	[tilespmem:s16+$0x1F410] =	vst v5  }
0xf7: {  	v60 =	vadd.f32 v57, v7;
	[tilespmem:s16+$0x1F420] =	vst v2;
	v0 =	vmul.f32 $4.999999890e-03, v0  }
0xf8: {  	p1 =	sne.s32 s19, $0x7;
	v61 =	vadd.f32 v58, v59;
	[tilespmem:s16+$0x1F430] =	vst v3;
	v1 =	vmul.f32 $4.999999890e-03, v1  }
.Ltmp6:
0xf9: {  	s14 =	sshll.u32 @!p1 s14, $0x7;
	[tilespmem:s16+$0x1F440] =	vst v0;
	v62 =	vmul.f32 $4.999999890e-03, v60;
	(pc) =	sbr.rel @p0 .LBB2_12-.Ltmp6, $4  }
0xfa: {  	s14 =	sadd.s32 @!p1 s14, s7;
	[tilespmem:s16+$0x1F450] =	vst v1;
	v63 =	vmul.f32 $4.999999890e-03, v61  }
0xfb: {  	s14 =	sshrl.u32 @!p1 s14, $0x3;
	[tilespmem:s16+$0x1F460] =	vst v62  }
0xfc: {  	s15 =	simm.s32 @!p1 $0x0;
	s14 =	sadd.s32 @!p1 s4, s14;
	[tilespmem:s16+$0x1F470] =	vst v63;
	s16 =	simm.s32 @!p1 $0x1F400  }
0xfd: {  	[hbm4b:s14+s15] =	stream.linear.scatter @!p1 [tilespmem:s16], [sflag:$0x5], $0x400, $0x38;
	[tilespmem:$0x1F800] =	vst v63  }
0xfe: {  	s14 =	smul.u32 $0xC80, s12;
	_ =	sdelay $0x1  }
.Ltmp7:
0xff: {  	s14 =	sshra.s32 s14, $0x2;
	(pc) =	sbr.rel .LBB2_2-.Ltmp7, $4  }
0x100: {  	s15 =	sadd.s32 $0x578, s14  }
0x101: {  	[tilespmem:s24], [sflag:$0x4] =	stream.indirect.gather [hbm4b:s2+s11], $0x80, s15, s11, $0xb8;
	[tilespmem:$0x1F800] =	vst v63  }
0x102: {  	s12 =	sadd.s32 $0x1, s12;
	s14 =	sadd.s32 $0x5D8, s14  }
0x103: {  	[tilespmem:s26], [sflag:$0x4] =	stream.indirect.gather [hbm4b:s2+s13], $0x80, s14, s13, $0xb8;
	[tilespmem:$0x1F800] =	vst v63  }
.LBB2_13:
0x104: {  	_ =	sfence.sel $0x180000  }
0x105: {  	[bflag:$0x0] =	sbarrier.arrive $0xFFFF  }
0x106: {  	_ =	strace $0x90000047  }
0x107: {  	s0 =	stileid.u32;
	[bflag:$0x2] =	sbarrier.arrive $0xFFFF  }
0x108: {  	p0 =	sne.s32 s0, $0x0;
	s0 =	rddreg [dreg:$0x2]  }
0x109: {  	s0 =	sadd.s32 @!p0 $0x100000, s0  }
0x10a: {  	[sflag:s0] =	ssyncadd.tile.s32 @!p0 $0x1;
	_ =	shalt  }
.Lfunc_end2:
_tile_overlayer_lowered:
.L_overlay_start_2:
0x10b: {  	(tag) =	ssettag $0x2  }
0x10c: {  	s0 =	rddreg [dreg:$0x0];
	s2 =	stileid.u32  }
0x10d: {  	s1 =	rddreg [dreg:$0x1];
	p0 =	sne.s32 s2, $0x0  }
0x10e: {  	s3 =	rddreg [dreg:$0x2];
	[bflag:$0x3] =	sbarrier.arrive $0xFFFF;
	s2 =	simm.s32 @!p0 $0x1C07  }
0x10f: {  	[timem:s3], [sflag:s2] =	dma.local @!p0 [hbm:s0], s1  }
0x110: {  	s0 =	simm.s32 @!p0 $0x7  }
0x111: {  	_ =	swait.ge @!p0 [sflag:s0], s1  }
0x112: {  	s1 =	ssub.s32 @!p0 $0x0, s1;
	[sflag:s0] =	ssyncset.done @!p0 $0x0  }
0x113: {  	[sflag:s0] =	ssyncadd.s32 @!p0 s1  }
0x114: {  	[bflag:$0x3] =	sbarrier.arrive $0xFFFF  }
0x115: {  	_ =	shalt  }

</sc_bundles>
